<compile_context>
chip_gen: v7x
topology: tpu7x:2x2x1
jax: 0.10.2.dev20260603
libtpu: 0.0.44.dev20260713+nightly
codegen_flags: <defaults>
</compile_context>

<pallas_src>
import functools

import jax
import jax.numpy as jnp
from jax import lax
from jax.experimental import pallas as pl
from jax.experimental.pallas import tpu as pltpu
from jax.experimental.pallas import tpu_sc as plsc


def _scores_body(x_ref, wt_ref, b_ref, vw_ref, vb_ref, s_ref):
    xb = x_ref[...]
    h = jnp.tanh(
        lax.dot_general(xb, wt_ref[...], (((1,), (0,)), ((), ())),
                        preferred_element_type=jnp.float32,
                        precision=lax.Precision.DEFAULT)
        + b_ref[...])
    s = lax.dot_general(h, vw_ref[...], (((1,), (0,)), ((), ())),
                        preferred_element_type=jnp.float32,
                        precision=lax.Precision.DEFAULT)
    s_ref[...] = s + vb_ref[0, 0]


def _sc_mask(scores, k_rank):
    nb, nt = scores.shape
    npr = nt // 16
    nchunk = npr // 16
    kk = jnp.int32(k_rank)
    MIN32 = jnp.int32(-2**31)

    def body(s_hbm, maw_hbm, s_v, k_v, o_v, bf_f, bf_i, all_f, all_i, h2_v,
             sh_f, sh_i):
        cid = lax.axis_index("c")
        wid = lax.axis_index("s")
        iota = lax.iota(jnp.int32, 16)

        def xmax_f(v):
            for st in (8, 4, 2, 1):
                bf_f[...] = v
                v = jnp.maximum(v, plsc.load_gather(bf_f, [iota ^ st]))
            return v

        def xsum_f(v):
            for st in (8, 4, 2, 1):
                bf_f[...] = v
                v = v + plsc.load_gather(bf_f, [iota ^ st])
            return v

        def prefix_i(v):
            for st in (1, 2, 4, 8):
                bf_i[...] = v
                g = plsc.load_gather(bf_i, [jnp.maximum(iota - st, 0)])
                v = v + jnp.where(iota >= st, g, jnp.int32(0))
            return v

        def xchg_f(vec, buf):
            bf_f[...] = vec
            pltpu.sync_copy(bf_f, sh_f.at[pl.ds(buf * 256 + wid * 16, 16)])
            plsc.subcore_barrier()
            pltpu.sync_copy(sh_f.at[pl.ds(buf * 256, 256)], all_f)
            return plsc.load_gather(all_f, [iota * 16])

        def row_body(rr, carry):
            row = cid * (nb // 2) + rr
            base = row * nt + wid * npr
            pltpu.sync_copy(s_hbm.at[pl.ds(base, npr)], s_v)

            def sw1(i, mx):
                s = s_v[pl.ds(i * 16, 16)]
                s = jnp.where(s == 0.0, 0.0, s)
                bits = lax.bitcast_convert_type(s, jnp.int32)
                k_v[pl.ds(i * 16, 16)] = bits ^ ((bits >> 31) | MIN32)
                return jnp.maximum(mx, s)

            mxv = lax.fori_loop(
                0, nchunk, sw1, jnp.full((16,), -jnp.inf, jnp.float32))
            gmax = xmax_f(xchg_f(xmax_f(mxv), 0))

            def sw2(i, acc):
                e = jnp.exp(s_v[pl.ds(i * 16, 16)] - gmax)
                o_v[pl.ds(i * 16, 16)] = e
                return acc + e

            accv = lax.fori_loop(
                0, nchunk, sw2, jnp.zeros((16,), jnp.float32))
            z = xsum_f(xchg_f(xsum_f(accv), 1))
            inv_z = 1.0 / z

            zi = jnp.zeros((16,), jnp.int32)
            ones = jnp.full((16,), 1, jnp.int32)

            def rnd(t, st, final=False):
                p_u, hi_mask, rcur, before = st
                shift = zi + (jnp.int32(28) - 4 * t)

                def zb(l, c):
                    h2_v[pl.ds(l * 16, 16)] = zi
                    return c
                lax.fori_loop(0, 16, zb, 0)

                def hsweep(i, c):
                    ku = k_v[pl.ds(i * 16, 16)]
                    nib = lax.shift_right_logical(ku, shift) & jnp.int32(0xF)
                    match = (ku & hi_mask) == p_u
                    plsc.addupdate_scatter(
                        h2_v, [nib * 16 + iota], ones, mask=match)
                    return c
                lax.fori_loop(0, nchunk, hsweep, 0)

                lbin = zi
                for l in range(16):
                    lbin = lbin + plsc.load_gather(h2_v, [iota * 16 + l])

                bf_i[...] = lbin
                pltpu.sync_copy(
                    bf_i, sh_i.at[pl.ds((t % 2) * 256 + wid * 16, 16)])
                plsc.subcore_barrier()
                pltpu.sync_copy(sh_i.at[pl.ds((t % 2) * 256, 256)], all_i)
                gbin = zi
                for l in range(16):
                    gbin = gbin + all_i[pl.ds(l * 16, 16)]

                cum = prefix_i(gbin)
                chosen = plsc.all_reduce_population_count(cum < rcur)
                bf_i[...] = cum - gbin
                sel_excl = plsc.load_gather(bf_i, [chosen])
                p_u = p_u | lax.shift_left(chosen, shift)
                hi_mask = hi_mask | lax.shift_left(zi + 0xF, shift)
                if final:
                    pcnt = plsc.load_gather(all_i, [iota * 16 + chosen])
                    excl_v = prefix_i(pcnt) - pcnt
                    bf_i[...] = excl_v
                    before = plsc.load_gather(bf_i, [zi + wid])
                return (p_u, hi_mask, rcur - sel_excl, before)

            st7 = lax.fori_loop(0, 7, rnd, (zi, zi, zi + kk, zi))
            theta, _, r, before = rnd(7, st7, final=True)
            rem = r - before

            theta_s = theta ^ MIN32

            def sw3(i, run):
                kv = k_v[pl.ds(i * 16, 16)]
                tie = kv == theta
                pp = prefix_i(jnp.where(tie, jnp.int32(1), jnp.int32(0)))
                sel = tie & ((run + pp) <= rem)
                masked = ((kv ^ MIN32) < theta_s) | sel
                o_v[pl.ds(i * 16, 16)] = jnp.where(
                    masked, 0.0, o_v[pl.ds(i * 16, 16)] * inv_z)
                return run + plsc.all_reduce_population_count(tie)

            lax.fori_loop(0, nchunk, sw3, zi)
            pltpu.sync_copy(o_v, maw_hbm.at[pl.ds(base, npr)])
            return carry

        lax.fori_loop(0, nb // 2, row_body, jnp.int32(0))

    return pl.kernel(
        body,
        out_type=jax.ShapeDtypeStruct((nb * nt,), jnp.float32),
        mesh=plsc.VectorSubcoreMesh(core_axis_name="c", subcore_axis_name="s"),
        compiler_params=pltpu.CompilerParams(needs_layout_passes=False),
        scratch_types=[
            pltpu.VMEM((npr,), jnp.float32),
            pltpu.VMEM((npr,), jnp.int32),
            pltpu.VMEM((npr,), jnp.float32),
            pltpu.VMEM((16,), jnp.float32),
            pltpu.VMEM((16,), jnp.int32),
            pltpu.VMEM((256,), jnp.float32),
            pltpu.VMEM((256,), jnp.int32),
            pltpu.VMEM((256,), jnp.int32),
            pltpu.VMEM_SHARED((512,), jnp.float32),
            pltpu.VMEM_SHARED((512,), jnp.int32),
        ],
    )(scores.reshape(nb * nt))


def _apply_body(x_ref, m_ref, h0_ref, o_ref):
    maw = m_ref[...]
    o_ref[...] = x_ref[...] * maw + (1.0 - maw) * h0_ref[...]


def kernel(x, W, b, v_w, v_b, H0):
    nb, nt, nd = x.shape
    k_rank = int(nt * 0.7)
    x2 = x.reshape(nb * nt, nd)
    wt = W.T

    tba = 2048
    nblk = nb * nt // tba

    scores = pl.pallas_call(
        _scores_body,
        grid=(nblk,),
        in_specs=[
            pl.BlockSpec((tba, nd), lambda i: (i, 0)),
            pl.BlockSpec((nd, nd), lambda i: (0, 0)),
            pl.BlockSpec((1, nd), lambda i: (0, 0)),
            pl.BlockSpec((nd, 1), lambda i: (0, 0)),
            pl.BlockSpec((1, 1), lambda i: (0, 0)),
        ],
        out_specs=pl.BlockSpec((tba, 1), lambda i: (i, 0)),
        out_shape=jax.ShapeDtypeStruct((nb * nt, 1), jnp.float32),
        compiler_params=pltpu.CompilerParams(
            dimension_semantics=("arbitrary",)),
    )(x2, wt, b.reshape(1, nd), v_w.reshape(nd, 1), v_b.reshape(1, 1))

    maw = _sc_mask(scores.reshape(nb, nt), k_rank).reshape(nb, nt)

    tbc = 2048
    out = pl.pallas_call(
        _apply_body,
        grid=(nb * nt // tbc,),
        in_specs=[
            pl.BlockSpec((tbc, nd), lambda i: (i, 0)),
            pl.BlockSpec((tbc, 1), lambda i: (i, 0)),
            pl.BlockSpec((1, nd), lambda i: (0, 0)),
        ],
        out_specs=pl.BlockSpec((tbc, nd), lambda i: (i, 0)),
        out_shape=jax.ShapeDtypeStruct((nb * nt, nd), jnp.float32),
        compiler_params=pltpu.CompilerParams(
            dimension_semantics=("parallel",)),
    )(x2, maw.reshape(nb * nt, 1), H0.reshape(1, nd))

    return out.reshape(nb, nt, nd), maw

# --- scband reference (transcript-rebuilt; emitter-appended) ---
"""Pipeline reference for scband-aspmsoft-masking-13700945674779 (READ-ONLY COPY).

The authoritative reference and input builder live on the scoring server;
editing this copy changes nothing except your own understanding.
"""

import jax, jax.numpy as jnp
import numpy as np

B, T, D = 4, 8192, 768

def setup_inputs(seed: int = 0) -> dict:
    key = jax.random.key(seed)
    ks = jax.random.split(key, 6)
    x = jax.random.normal(ks[0], (B, T, D), dtype=jnp.float32)
    W = jax.random.normal(ks[1], (D, D), dtype=jnp.float32) * (1.0 / np.sqrt(D))
    b = jnp.zeros((D,), dtype=jnp.float32)
    v_w = jax.random.normal(ks[2], (D,), dtype=jnp.float32) * (1.0 / np.sqrt(D))
    v_b = jnp.zeros((1,), dtype=jnp.float32)
    H0 = jax.random.normal(ks[3], (D,), dtype=jnp.float32)
    return {"x": x, "W": W, "b": b, "v_w": v_w, "v_b": v_b, "H0": H0}

def reference(x, W, b, v_w, v_b, H0):
    mask_ratio = 0.7
    batch_size, time_steps, feature_dim = x.shape
    # scores = tanh(Linear(x)) then project to scalar per frame
    h = jnp.tanh(jnp.einsum('btd,ed->bte', x, W) + b)
    scores = jnp.einsum('bte,e->bt', h, v_w) + v_b[0]
    attention_weights = jax.nn.softmax(scores, axis=1)
    num_mask_frames = int(time_steps * mask_ratio)
    sorted_indices = jnp.argsort(scores, axis=1)  # ascending, like torch.sort
    mask_indices = sorted_indices[:, :num_mask_frames]
    mask = jnp.ones((batch_size, time_steps), dtype=jnp.float32)
    mask = mask.at[jnp.arange(batch_size)[:, None], mask_indices].set(0.0)
    masked_attention_weights = attention_weights * mask
    maw = masked_attention_weights[..., None]
    H0_expanded = H0[None, None, :]
    masked_output = x * maw + (1.0 - maw) * H0_expanded
    return (masked_output, masked_attention_weights)

if __name__ == "__main__":
    import jax
    _d = setup_inputs()
    print(jax.jit(kernel)(*tuple(_d.values())))

</pallas_src>

<mosaic_0001>
#map = affine_map<(d0, d1) -> (0)>
module attributes {stable_mosaic.version = 14 : i64} {
  func.func @_rewritten_body(%arg0: i32, %arg1: i32, %arg2: memref<32768xf32, #tpu.memory_space<hbm>>, %arg3: memref<1xi32, #tpu.memory_space<hbm>>, %arg4: memref<1xi32, #tpu.memory_space<hbm>>, %arg5: memref<32768xf32, #tpu.memory_space<hbm>>, %arg6: memref<512xf32, #tpu.memory_space<vmem>>, %arg7: memref<512xi32, #tpu.memory_space<vmem>>, %arg8: memref<512xf32, #tpu.memory_space<vmem>>, %arg9: memref<16xf32, #tpu.memory_space<vmem>>, %arg10: memref<16xi32, #tpu.memory_space<vmem>>, %arg11: memref<256xf32, #tpu.memory_space<vmem>>, %arg12: memref<256xi32, #tpu.memory_space<vmem>>, %arg13: memref<256xi32, #tpu.memory_space<vmem>>, %arg14: memref<512xf32, #tpu.memory_space<vmem_shared>>, %arg15: memref<512xi32, #tpu.memory_space<vmem_shared>>) attributes {dimension_semantics = [#tpu.dimension_semantics<core_parallel>, #tpu.dimension_semantics<subcore_parallel>], iteration_bounds = array<i64: 2, 16>, scalar_prefetch = 0 : i64, scratch_operands = 10 : i64, tpu.core_type = #tpu.core_type<sc_vector_subcore>, window_params = [{transform_indices = #map}, {transform_indices = #map}, {transform_indices = #map}, {transform_indices = #map}]} {
    %empty_ref3A = memref.alloca() : memref<16xi32, #tpu.memory_space<vmem>>
    %empty_ref3A_0 = memref.alloca() : memref<16xi32, #tpu.memory_space<vmem>>
    "tpu.region"() ({
      %run_scoped3A = tpu.sem_alloc : memref<!tpu.dma_semaphore, #tpu.memory_space<semaphore_mem>>
      %dma_start3A = arith.constant 0 : i32
      %dma_start3A_11 = tpu.memref_slice %empty_ref3A[%dma_start3A] : memref<16xi32, #tpu.memory_space<vmem>> -> memref<1xi32, #tpu.memory_space<vmem>>
      %dma_start3A_12 = arith.constant 0 : i32
      %dma_start3A_13 = tpu.memref_slice %empty_ref3A[%dma_start3A_12] : memref<16xi32, #tpu.memory_space<vmem>> -> memref<1xi32, #tpu.memory_space<vmem>>
      tpu.enqueue_dma source(%arg3 : memref<1xi32, #tpu.memory_space<hbm>>) target(%dma_start3A_13 : memref<1xi32, #tpu.memory_space<vmem>>) target_semaphore(%run_scoped3A : memref<!tpu.dma_semaphore, #tpu.memory_space<semaphore_mem>>)
      %dma_start3A_14 = arith.constant 0 : i32
      %dma_start3A_15 = tpu.memref_slice %empty_ref3A_0[%dma_start3A_14] : memref<16xi32, #tpu.memory_space<vmem>> -> memref<1xi32, #tpu.memory_space<vmem>>
      %dma_start3A_16 = arith.constant 0 : i32
      %dma_start3A_17 = tpu.memref_slice %empty_ref3A_0[%dma_start3A_16] : memref<16xi32, #tpu.memory_space<vmem>> -> memref<1xi32, #tpu.memory_space<vmem>>
      tpu.enqueue_dma source(%arg4 : memref<1xi32, #tpu.memory_space<hbm>>) target(%dma_start3A_17 : memref<1xi32, #tpu.memory_space<vmem>>) target_semaphore(%run_scoped3A : memref<!tpu.dma_semaphore, #tpu.memory_space<semaphore_mem>>)
      %dma_wait3A = arith.constant 0 : i32
      %dma_wait3A_18 = tpu.memref_slice %empty_ref3A[%dma_wait3A] : memref<16xi32, #tpu.memory_space<vmem>> -> memref<1xi32, #tpu.memory_space<vmem>>
      %dma_wait3A_19 = arith.constant 0 : i32
      %dma_wait3A_20 = tpu.memref_slice %empty_ref3A[%dma_wait3A_19] : memref<16xi32, #tpu.memory_space<vmem>> -> memref<1xi32, #tpu.memory_space<vmem>>
      tpu.wait_dma2 semaphore(%run_scoped3A : memref<!tpu.dma_semaphore, #tpu.memory_space<semaphore_mem>>) src(%arg3 : memref<1xi32, #tpu.memory_space<hbm>>) dst(%dma_wait3A_20 : memref<1xi32, #tpu.memory_space<vmem>>)
      %dma_wait3A_21 = arith.constant 0 : i32
      %dma_wait3A_22 = tpu.memref_slice %empty_ref3A_0[%dma_wait3A_21] : memref<16xi32, #tpu.memory_space<vmem>> -> memref<1xi32, #tpu.memory_space<vmem>>
      %dma_wait3A_23 = arith.constant 0 : i32
      %dma_wait3A_24 = tpu.memref_slice %empty_ref3A_0[%dma_wait3A_23] : memref<16xi32, #tpu.memory_space<vmem>> -> memref<1xi32, #tpu.memory_space<vmem>>
      tpu.wait_dma2 semaphore(%run_scoped3A : memref<!tpu.dma_semaphore, #tpu.memory_space<semaphore_mem>>) src(%arg4 : memref<1xi32, #tpu.memory_space<hbm>>) dst(%dma_wait3A_24 : memref<1xi32, #tpu.memory_space<vmem>>)
      tpu.yield
    }) : () -> ()
    %get3A = arith.constant 0 : index
    %get3A_1 = tpu.vector_load %empty_ref3A[%get3A] {strides = array<i32>} : memref<16xi32, #tpu.memory_space<vmem>>, vector<16xi32>,
    %slice3A = vector.extract_strided_slice %get3A_1 {offsets = [0], sizes = [1], strides = [1]} : vector<16xi32> to vector<1xi32>
    %squeeze3A = vector.extract %slice3A[0] : i32 from vector<1xi32>
    %get3A_2 = arith.constant 0 : index
    %get3A_3 = tpu.vector_load %empty_ref3A_0[%get3A_2] {strides = array<i32>} : memref<16xi32, #tpu.memory_space<vmem>>, vector<16xi32>,
    %slice3A_4 = vector.extract_strided_slice %get3A_3 {offsets = [0], sizes = [1], strides = [1]} : vector<16xi32> to vector<1xi32>
    %squeeze3A_5 = vector.extract %slice3A_4[0] : i32 from vector<1xi32>
    %iota3A = tpu.iota {dimensions = array<i32: 0>} : vector<16xi32>
    %scan3A = arith.constant 0 : i32
    %scan3A_6 = arith.constant 0 : i32
    %scan3A_7 = arith.constant 2 : i32
    %scan3A_8 = arith.addi %scan3A_6, %scan3A_7 : i32
    %scan3A_9 = arith.constant 1 : i32
    scf.for %scan3A_11 = %scan3A_6 to %scan3A_8 step %scan3A_9  : i32 {
      %mul3A = arith.constant 2 : i32
      %mul3A_12 = arith.muli %arg0, %mul3A : i32
      %add3A = arith.addi %mul3A_12, %scan3A_11 : i32
      %mul3A_13 = arith.constant 8192 : i32
      %mul3A_14 = arith.muli %add3A, %mul3A_13 : i32
      %mul3A_15 = arith.constant 512 : i32
      %mul3A_16 = arith.muli %arg1, %mul3A_15 : i32
      %add3A_17 = arith.addi %mul3A_14, %mul3A_16 : i32
      "tpu.region"() ({
        %run_scoped3A = tpu.sem_alloc : memref<!tpu.dma_semaphore, #tpu.memory_space<semaphore_mem>>
        %dma_start3A = tpu.memref_slice %arg2[%add3A_17] : memref<32768xf32, #tpu.memory_space<hbm>> -> memref<512xf32, #tpu.memory_space<hbm>>
        %dma_start3A_530 = tpu.memref_slice %arg2[%add3A_17] : memref<32768xf32, #tpu.memory_space<hbm>> -> memref<512xf32, #tpu.memory_space<hbm>>
        tpu.enqueue_dma source(%dma_start3A_530 : memref<512xf32, #tpu.memory_space<hbm>>) target(%arg6 : memref<512xf32, #tpu.memory_space<vmem>>) target_semaphore(%run_scoped3A : memref<!tpu.dma_semaphore, #tpu.memory_space<semaphore_mem>>)
        %dma_wait3A = tpu.memref_slice %arg2[%add3A_17] : memref<32768xf32, #tpu.memory_space<hbm>> -> memref<512xf32, #tpu.memory_space<hbm>>
        %dma_wait3A_531 = tpu.memref_slice %arg2[%add3A_17] : memref<32768xf32, #tpu.memory_space<hbm>> -> memref<512xf32, #tpu.memory_space<hbm>>
        tpu.wait_dma2 semaphore(%run_scoped3A : memref<!tpu.dma_semaphore, #tpu.memory_space<semaphore_mem>>) src(%dma_wait3A_531 : memref<512xf32, #tpu.memory_space<hbm>>) dst(%arg6 : memref<512xf32, #tpu.memory_space<vmem>>)
        tpu.yield
      }) : () -> ()
      %broadcast_in_dim3A = arith.constant 0xFF800000 : f32
      %broadcast_in_dim3A_18 = vector.broadcast %broadcast_in_dim3A : f32 to vector<16xf32>
      %scan3A_19 = arith.constant 0 : i32
      %scan3A_20 = arith.constant 32 : i32
      %scan3A_21 = arith.addi %scan3A_19, %scan3A_20 : i32
      %scan3A_22 = arith.constant 1 : i32
      %scan3A_23 = scf.for %scan3A_530 = %scan3A_19 to %scan3A_21 step %scan3A_22 iter_args(%scan3A_531 = %broadcast_in_dim3A_18) -> (vector<16xf32>)  : i32 {
        %mul3A_532 = arith.constant 16 : i32
        %mul3A_533 = arith.muli %scan3A_530, %mul3A_532 : i32
        %get3A_534 = arith.index_cast %mul3A_533 : i32 to index
        %get3A_535 = tpu.vector_load %arg6[%get3A_534] {strides = array<i32>} : memref<512xf32, #tpu.memory_space<vmem>>, vector<16xf32>,
        %eq3A = arith.constant 0.000000e+00 : f32
        %eq3A_536 = vector.broadcast %eq3A : f32 to vector<16xf32>
        %eq3A_537 = arith.cmpf oeq, %get3A_535, %eq3A_536 : vector<16xf32>
        %jit3A_538 = arith.constant 0.000000e+00 : f32
        %broadcast_in_dim3A_539 = vector.broadcast %jit3A_538 : f32 to vector<16xf32>
        %select_n3A_540 = arith.select %eq3A_537, %broadcast_in_dim3A_539, %get3A_535 : vector<16xi1>, vector<16xf32>
        %bitcast_convert_type3A = tpu.bitcast %select_n3A_540 : vector<16xf32> -> vector<16xi32>
        %shift_right_arithmetic3A = arith.constant 31 : i32
        %shift_right_arithmetic3A_541 = vector.broadcast %shift_right_arithmetic3A : i32 to vector<16xi32>
        %shift_right_arithmetic3A_542 = arith.shrsi %bitcast_convert_type3A, %shift_right_arithmetic3A_541 : vector<16xi32>
        %or3A_543 = vector.broadcast %squeeze3A : i32 to vector<16xi32>
        %or3A_544 = arith.ori %shift_right_arithmetic3A_542, %or3A_543 : vector<16xi32>
        %xor3A_545 = arith.xori %bitcast_convert_type3A, %or3A_544 : vector<16xi32>
        %mul3A_546 = arith.constant 16 : i32
        %mul3A_547 = arith.muli %scan3A_530, %mul3A_546 : i32
        %swap3A_548 = arith.index_cast %mul3A_547 : i32 to index
        %swap3A_549 = tpu.vector_load %arg7[%swap3A_548] {strides = array<i32>} : memref<512xi32, #tpu.memory_space<vmem>>, vector<16xi32>,
        tpu.vector_store %arg7[%swap3A_548], %xor3A_545 {strides = array<i32>} : memref<512xi32, #tpu.memory_space<vmem>>, vector<16xi32>,
        %max3A_550 = arith.maximumf %scan3A_531, %select_n3A_540 : vector<16xf32>
        scf.yield %max3A_550 : vector<16xf32>
      }
      %scan3A_24 = arith.constant 32 : i32
      %swap3A = arith.constant 0 : index
      %swap3A_25 = tpu.vector_load %arg9[%swap3A] {strides = array<i32>} : memref<16xf32, #tpu.memory_space<vmem>>, vector<16xf32>,
      tpu.vector_store %arg9[%swap3A], %scan3A_23 {strides = array<i32>} : memref<16xf32, #tpu.memory_space<vmem>>, vector<16xf32>,
      %xor3A = arith.constant 8 : i32
      %xor3A_26 = vector.broadcast %xor3A : i32 to vector<16xi32>
      %xor3A_27 = arith.xori %iota3A, %xor3A_26 : vector<16xi32>
      %gather3A = tpu.vector_load_idx %arg9[%xor3A_27] : memref<16xf32, #tpu.memory_space<vmem>>[vector<16xi32>], vector<16xf32>,
      %max3A = arith.maximumf %scan3A_23, %gather3A : vector<16xf32>
      %swap3A_28 = arith.constant 0 : index
      %swap3A_29 = tpu.vector_load %arg9[%swap3A_28] {strides = array<i32>} : memref<16xf32, #tpu.memory_space<vmem>>, vector<16xf32>,
      tpu.vector_store %arg9[%swap3A_28], %max3A {strides = array<i32>} : memref<16xf32, #tpu.memory_space<vmem>>, vector<16xf32>,
      %xor3A_30 = arith.constant 4 : i32
      %xor3A_31 = vector.broadcast %xor3A_30 : i32 to vector<16xi32>
      %xor3A_32 = arith.xori %iota3A, %xor3A_31 : vector<16xi32>
      %gather3A_33 = tpu.vector_load_idx %arg9[%xor3A_32] : memref<16xf32, #tpu.memory_space<vmem>>[vector<16xi32>], vector<16xf32>,
      %max3A_34 = arith.maximumf %max3A, %gather3A_33 : vector<16xf32>
      %swap3A_35 = arith.constant 0 : index
      %swap3A_36 = tpu.vector_load %arg9[%swap3A_35] {strides = array<i32>} : memref<16xf32, #tpu.memory_space<vmem>>, vector<16xf32>,
      tpu.vector_store %arg9[%swap3A_35], %max3A_34 {strides = array<i32>} : memref<16xf32, #tpu.memory_space<vmem>>, vector<16xf32>,
      %xor3A_37 = arith.constant 2 : i32
      %xor3A_38 = vector.broadcast %xor3A_37 : i32 to vector<16xi32>
      %xor3A_39 = arith.xori %iota3A, %xor3A_38 : vector<16xi32>
      %gather3A_40 = tpu.vector_load_idx %arg9[%xor3A_39] : memref<16xf32, #tpu.memory_space<vmem>>[vector<16xi32>], vector<16xf32>,
      %max3A_41 = arith.maximumf %max3A_34, %gather3A_40 : vector<16xf32>
      %swap3A_42 = arith.constant 0 : index
      %swap3A_43 = tpu.vector_load %arg9[%swap3A_42] {strides = array<i32>} : memref<16xf32, #tpu.memory_space<vmem>>, vector<16xf32>,
      tpu.vector_store %arg9[%swap3A_42], %max3A_41 {strides = array<i32>} : memref<16xf32, #tpu.memory_space<vmem>>, vector<16xf32>,
      %xor3A_44 = arith.constant 1 : i32
      %xor3A_45 = vector.broadcast %xor3A_44 : i32 to vector<16xi32>
      %xor3A_46 = arith.xori %iota3A, %xor3A_45 : vector<16xi32>
      %gather3A_47 = tpu.vector_load_idx %arg9[%xor3A_46] : memref<16xf32, #tpu.memory_space<vmem>>[vector<16xi32>], vector<16xf32>,
      %max3A_48 = arith.maximumf %max3A_41, %gather3A_47 : vector<16xf32>
      %swap3A_49 = arith.constant 0 : index
      %swap3A_50 = tpu.vector_load %arg9[%swap3A_49] {strides = array<i32>} : memref<16xf32, #tpu.memory_space<vmem>>, vector<16xf32>,
      tpu.vector_store %arg9[%swap3A_49], %max3A_48 {strides = array<i32>} : memref<16xf32, #tpu.memory_space<vmem>>, vector<16xf32>,
      %mul3A_51 = arith.constant 16 : i32
      %mul3A_52 = arith.muli %arg1, %mul3A_51 : i32
      %add3A_53 = arith.constant 0 : i32
      %add3A_54 = arith.addi %add3A_53, %mul3A_52 : i32
      "tpu.region"() ({
        %run_scoped3A = tpu.sem_alloc : memref<!tpu.dma_semaphore, #tpu.memory_space<semaphore_mem>>
        %dma_start3A = tpu.memref_slice %arg14[%add3A_54] : memref<512xf32, #tpu.memory_space<vmem_shared>> -> memref<16xf32, #tpu.memory_space<vmem_shared>>
        %dma_start3A_530 = tpu.memref_slice %arg14[%add3A_54] : memref<512xf32, #tpu.memory_space<vmem_shared>> -> memref<16xf32, #tpu.memory_space<vmem_shared>>
        tpu.enqueue_dma source(%arg9 : memref<16xf32, #tpu.memory_space<vmem>>) target(%dma_start3A_530 : memref<16xf32, #tpu.memory_space<vmem_shared>>) target_semaphore(%run_scoped3A : memref<!tpu.dma_semaphore, #tpu.memory_space<semaphore_mem>>)
        %dma_wait3A = tpu.memref_slice %arg14[%add3A_54] : memref<512xf32, #tpu.memory_space<vmem_shared>> -> memref<16xf32, #tpu.memory_space<vmem_shared>>
        %dma_wait3A_531 = tpu.memref_slice %arg14[%add3A_54] : memref<512xf32, #tpu.memory_space<vmem_shared>> -> memref<16xf32, #tpu.memory_space<vmem_shared>>
        tpu.wait_dma2 semaphore(%run_scoped3A : memref<!tpu.dma_semaphore, #tpu.memory_space<semaphore_mem>>) src(%arg9 : memref<16xf32, #tpu.memory_space<vmem>>) dst(%dma_wait3A_531 : memref<16xf32, #tpu.memory_space<vmem_shared>>)
        tpu.yield
      }) : () -> ()
      %barrier3A = arith.constant 0 : index
      tpu.barrier barrier_id(%barrier3A)
      "tpu.region"() ({
        %run_scoped3A = tpu.sem_alloc : memref<!tpu.dma_semaphore, #tpu.memory_space<semaphore_mem>>
        %dma_start3A = arith.constant 0 : i32
        %dma_start3A_530 = tpu.memref_slice %arg14[%dma_start3A] : memref<512xf32, #tpu.memory_space<vmem_shared>> -> memref<256xf32, #tpu.memory_space<vmem_shared>>
        %dma_start3A_531 = arith.constant 0 : i32
        %dma_start3A_532 = tpu.memref_slice %arg14[%dma_start3A_531] : memref<512xf32, #tpu.memory_space<vmem_shared>> -> memref<256xf32, #tpu.memory_space<vmem_shared>>
        tpu.enqueue_dma source(%dma_start3A_532 : memref<256xf32, #tpu.memory_space<vmem_shared>>) target(%arg11 : memref<256xf32, #tpu.memory_space<vmem>>) target_semaphore(%run_scoped3A : memref<!tpu.dma_semaphore, #tpu.memory_space<semaphore_mem>>)
        %dma_wait3A = arith.constant 0 : i32
        %dma_wait3A_533 = tpu.memref_slice %arg14[%dma_wait3A] : memref<512xf32, #tpu.memory_space<vmem_shared>> -> memref<256xf32, #tpu.memory_space<vmem_shared>>
        %dma_wait3A_534 = arith.constant 0 : i32
        %dma_wait3A_535 = tpu.memref_slice %arg14[%dma_wait3A_534] : memref<512xf32, #tpu.memory_space<vmem_shared>> -> memref<256xf32, #tpu.memory_space<vmem_shared>>
        tpu.wait_dma2 semaphore(%run_scoped3A : memref<!tpu.dma_semaphore, #tpu.memory_space<semaphore_mem>>) src(%dma_wait3A_535 : memref<256xf32, #tpu.memory_space<vmem_shared>>) dst(%arg11 : memref<256xf32, #tpu.memory_space<vmem>>)
        tpu.yield
      }) : () -> ()
      %mul3A_55 = arith.constant 16 : i32
      %mul3A_56 = vector.broadcast %mul3A_55 : i32 to vector<16xi32>
      %mul3A_57 = arith.muli %iota3A, %mul3A_56 : vector<16xi32>
      %gather3A_58 = tpu.vector_load_idx %arg11[%mul3A_57] : memref<256xf32, #tpu.memory_space<vmem>>[vector<16xi32>], vector<16xf32>,
      %swap3A_59 = arith.constant 0 : index
      %swap3A_60 = tpu.vector_load %arg9[%swap3A_59] {strides = array<i32>} : memref<16xf32, #tpu.memory_space<vmem>>, vector<16xf32>,
      tpu.vector_store %arg9[%swap3A_59], %gather3A_58 {strides = array<i32>} : memref<16xf32, #tpu.memory_space<vmem>>, vector<16xf32>,
      %xor3A_61 = arith.constant 8 : i32
      %xor3A_62 = vector.broadcast %xor3A_61 : i32 to vector<16xi32>
      %xor3A_63 = arith.xori %iota3A, %xor3A_62 : vector<16xi32>
      %gather3A_64 = tpu.vector_load_idx %arg9[%xor3A_63] : memref<16xf32, #tpu.memory_space<vmem>>[vector<16xi32>], vector<16xf32>,
      %max3A_65 = arith.maximumf %gather3A_58, %gather3A_64 : vector<16xf32>
      %swap3A_66 = arith.constant 0 : index
      %swap3A_67 = tpu.vector_load %arg9[%swap3A_66] {strides = array<i32>} : memref<16xf32, #tpu.memory_space<vmem>>, vector<16xf32>,
      tpu.vector_store %arg9[%swap3A_66], %max3A_65 {strides = array<i32>} : memref<16xf32, #tpu.memory_space<vmem>>, vector<16xf32>,
      %xor3A_68 = arith.constant 4 : i32
      %xor3A_69 = vector.broadcast %xor3A_68 : i32 to vector<16xi32>
      %xor3A_70 = arith.xori %iota3A, %xor3A_69 : vector<16xi32>
      %gather3A_71 = tpu.vector_load_idx %arg9[%xor3A_70] : memref<16xf32, #tpu.memory_space<vmem>>[vector<16xi32>], vector<16xf32>,
      %max3A_72 = arith.maximumf %max3A_65, %gather3A_71 : vector<16xf32>
      %swap3A_73 = arith.constant 0 : index
      %swap3A_74 = tpu.vector_load %arg9[%swap3A_73] {strides = array<i32>} : memref<16xf32, #tpu.memory_space<vmem>>, vector<16xf32>,
      tpu.vector_store %arg9[%swap3A_73], %max3A_72 {strides = array<i32>} : memref<16xf32, #tpu.memory_space<vmem>>, vector<16xf32>,
      %xor3A_75 = arith.constant 2 : i32
      %xor3A_76 = vector.broadcast %xor3A_75 : i32 to vector<16xi32>
      %xor3A_77 = arith.xori %iota3A, %xor3A_76 : vector<16xi32>
      %gather3A_78 = tpu.vector_load_idx %arg9[%xor3A_77] : memref<16xf32, #tpu.memory_space<vmem>>[vector<16xi32>], vector<16xf32>,
      %max3A_79 = arith.maximumf %max3A_72, %gather3A_78 : vector<16xf32>
      %swap3A_80 = arith.constant 0 : index
      %swap3A_81 = tpu.vector_load %arg9[%swap3A_80] {strides = array<i32>} : memref<16xf32, #tpu.memory_space<vmem>>, vector<16xf32>,
      tpu.vector_store %arg9[%swap3A_80], %max3A_79 {strides = array<i32>} : memref<16xf32, #tpu.memory_space<vmem>>, vector<16xf32>,
      %xor3A_82 = arith.constant 1 : i32
      %xor3A_83 = vector.broadcast %xor3A_82 : i32 to vector<16xi32>
      %xor3A_84 = arith.xori %iota3A, %xor3A_83 : vector<16xi32>
      %gather3A_85 = tpu.vector_load_idx %arg9[%xor3A_84] : memref<16xf32, #tpu.memory_space<vmem>>[vector<16xi32>], vector<16xf32>,
      %max3A_86 = arith.maximumf %max3A_79, %gather3A_85 : vector<16xf32>
      %broadcast_in_dim3A_87 = arith.constant 0.000000e+00 : f32
      %broadcast_in_dim3A_88 = vector.broadcast %broadcast_in_dim3A_87 : f32 to vector<16xf32>
      %scan3A_89 = arith.constant 0 : i32
      %scan3A_90 = arith.constant 32 : i32
      %scan3A_91 = arith.addi %scan3A_89, %scan3A_90 : i32
      %scan3A_92 = arith.constant 1 : i32
      %scan3A_93 = scf.for %scan3A_530 = %scan3A_89 to %scan3A_91 step %scan3A_92 iter_args(%scan3A_531 = %broadcast_in_dim3A_88) -> (vector<16xf32>)  : i32 {
        %mul3A_532 = arith.constant 16 : i32
        %mul3A_533 = arith.muli %scan3A_530, %mul3A_532 : i32
        %get3A_534 = arith.index_cast %mul3A_533 : i32 to index
        %get3A_535 = tpu.vector_load %arg6[%get3A_534] {strides = array<i32>} : memref<512xf32, #tpu.memory_space<vmem>>, vector<16xf32>,
        %sub3A_536 = arith.subf %get3A_535, %max3A_86 : vector<16xf32>
        %exp3A = math.exp %sub3A_536 : vector<16xf32>
        %mul3A_537 = arith.constant 16 : i32
        %mul3A_538 = arith.muli %scan3A_530, %mul3A_537 : i32
        %swap3A_539 = arith.index_cast %mul3A_538 : i32 to index
        %swap3A_540 = tpu.vector_load %arg8[%swap3A_539] {strides = array<i32>} : memref<512xf32, #tpu.memory_space<vmem>>, vector<16xf32>,
        tpu.vector_store %arg8[%swap3A_539], %exp3A {strides = array<i32>} : memref<512xf32, #tpu.memory_space<vmem>>, vector<16xf32>,
        %add3A_541 = arith.addf %scan3A_531, %exp3A : vector<16xf32>
        scf.yield %add3A_541 : vector<16xf32>
      }
      %scan3A_94 = arith.constant 32 : i32
      %swap3A_95 = arith.constant 0 : index
      %swap3A_96 = tpu.vector_load %arg9[%swap3A_95] {strides = array<i32>} : memref<16xf32, #tpu.memory_space<vmem>>, vector<16xf32>,
      tpu.vector_store %arg9[%swap3A_95], %scan3A_93 {strides = array<i32>} : memref<16xf32, #tpu.memory_space<vmem>>, vector<16xf32>,
      %xor3A_97 = arith.constant 8 : i32
      %xor3A_98 = vector.broadcast %xor3A_97 : i32 to vector<16xi32>
      %xor3A_99 = arith.xori %iota3A, %xor3A_98 : vector<16xi32>
      %gather3A_100 = tpu.vector_load_idx %arg9[%xor3A_99] : memref<16xf32, #tpu.memory_space<vmem>>[vector<16xi32>], vector<16xf32>,
      %add3A_101 = arith.addf %scan3A_93, %gather3A_100 : vector<16xf32>
      %swap3A_102 = arith.constant 0 : index
      %swap3A_103 = tpu.vector_load %arg9[%swap3A_102] {strides = array<i32>} : memref<16xf32, #tpu.memory_space<vmem>>, vector<16xf32>,
      tpu.vector_store %arg9[%swap3A_102], %add3A_101 {strides = array<i32>} : memref<16xf32, #tpu.memory_space<vmem>>, vector<16xf32>,
      %xor3A_104 = arith.constant 4 : i32
      %xor3A_105 = vector.broadcast %xor3A_104 : i32 to vector<16xi32>
      %xor3A_106 = arith.xori %iota3A, %xor3A_105 : vector<16xi32>
      %gather3A_107 = tpu.vector_load_idx %arg9[%xor3A_106] : memref<16xf32, #tpu.memory_space<vmem>>[vector<16xi32>], vector<16xf32>,
      %add3A_108 = arith.addf %add3A_101, %gather3A_107 : vector<16xf32>
      %swap3A_109 = arith.constant 0 : index
      %swap3A_110 = tpu.vector_load %arg9[%swap3A_109] {strides = array<i32>} : memref<16xf32, #tpu.memory_space<vmem>>, vector<16xf32>,
      tpu.vector_store %arg9[%swap3A_109], %add3A_108 {strides = array<i32>} : memref<16xf32, #tpu.memory_space<vmem>>, vector<16xf32>,
      %xor3A_111 = arith.constant 2 : i32
      %xor3A_112 = vector.broadcast %xor3A_111 : i32 to vector<16xi32>
      %xor3A_113 = arith.xori %iota3A, %xor3A_112 : vector<16xi32>
      %gather3A_114 = tpu.vector_load_idx %arg9[%xor3A_113] : memref<16xf32, #tpu.memory_space<vmem>>[vector<16xi32>], vector<16xf32>,
      %add3A_115 = arith.addf %add3A_108, %gather3A_114 : vector<16xf32>
      %swap3A_116 = arith.constant 0 : index
      %swap3A_117 = tpu.vector_load %arg9[%swap3A_116] {strides = array<i32>} : memref<16xf32, #tpu.memory_space<vmem>>, vector<16xf32>,
      tpu.vector_store %arg9[%swap3A_116], %add3A_115 {strides = array<i32>} : memref<16xf32, #tpu.memory_space<vmem>>, vector<16xf32>,
      %xor3A_118 = arith.constant 1 : i32
      %xor3A_119 = vector.broadcast %xor3A_118 : i32 to vector<16xi32>
      %xor3A_120 = arith.xori %iota3A, %xor3A_119 : vector<16xi32>
      %gather3A_121 = tpu.vector_load_idx %arg9[%xor3A_120] : memref<16xf32, #tpu.memory_space<vmem>>[vector<16xi32>], vector<16xf32>,
      %add3A_122 = arith.addf %add3A_115, %gather3A_121 : vector<16xf32>
      %swap3A_123 = arith.constant 0 : index
      %swap3A_124 = tpu.vector_load %arg9[%swap3A_123] {strides = array<i32>} : memref<16xf32, #tpu.memory_space<vmem>>, vector<16xf32>,
      tpu.vector_store %arg9[%swap3A_123], %add3A_122 {strides = array<i32>} : memref<16xf32, #tpu.memory_space<vmem>>, vector<16xf32>,
      %mul3A_125 = arith.constant 16 : i32
      %mul3A_126 = arith.muli %arg1, %mul3A_125 : i32
      %add3A_127 = arith.constant 256 : i32
      %add3A_128 = arith.addi %add3A_127, %mul3A_126 : i32
      "tpu.region"() ({
        %run_scoped3A = tpu.sem_alloc : memref<!tpu.dma_semaphore, #tpu.memory_space<semaphore_mem>>
        %dma_start3A = tpu.memref_slice %arg14[%add3A_128] : memref<512xf32, #tpu.memory_space<vmem_shared>> -> memref<16xf32, #tpu.memory_space<vmem_shared>>
        %dma_start3A_530 = tpu.memref_slice %arg14[%add3A_128] : memref<512xf32, #tpu.memory_space<vmem_shared>> -> memref<16xf32, #tpu.memory_space<vmem_shared>>
        tpu.enqueue_dma source(%arg9 : memref<16xf32, #tpu.memory_space<vmem>>) target(%dma_start3A_530 : memref<16xf32, #tpu.memory_space<vmem_shared>>) target_semaphore(%run_scoped3A : memref<!tpu.dma_semaphore, #tpu.memory_space<semaphore_mem>>)
        %dma_wait3A = tpu.memref_slice %arg14[%add3A_128] : memref<512xf32, #tpu.memory_space<vmem_shared>> -> memref<16xf32, #tpu.memory_space<vmem_shared>>
        %dma_wait3A_531 = tpu.memref_slice %arg14[%add3A_128] : memref<512xf32, #tpu.memory_space<vmem_shared>> -> memref<16xf32, #tpu.memory_space<vmem_shared>>
        tpu.wait_dma2 semaphore(%run_scoped3A : memref<!tpu.dma_semaphore, #tpu.memory_space<semaphore_mem>>) src(%arg9 : memref<16xf32, #tpu.memory_space<vmem>>) dst(%dma_wait3A_531 : memref<16xf32, #tpu.memory_space<vmem_shared>>)
        tpu.yield
      }) : () -> ()
      %barrier3A_129 = arith.constant 0 : index
      tpu.barrier barrier_id(%barrier3A_129)
      "tpu.region"() ({
        %run_scoped3A = tpu.sem_alloc : memref<!tpu.dma_semaphore, #tpu.memory_space<semaphore_mem>>
        %dma_start3A = arith.constant 256 : i32
        %dma_start3A_530 = tpu.memref_slice %arg14[%dma_start3A] : memref<512xf32, #tpu.memory_space<vmem_shared>> -> memref<256xf32, #tpu.memory_space<vmem_shared>>
        %dma_start3A_531 = arith.constant 256 : i32
        %dma_start3A_532 = tpu.memref_slice %arg14[%dma_start3A_531] : memref<512xf32, #tpu.memory_space<vmem_shared>> -> memref<256xf32, #tpu.memory_space<vmem_shared>>
        tpu.enqueue_dma source(%dma_start3A_532 : memref<256xf32, #tpu.memory_space<vmem_shared>>) target(%arg11 : memref<256xf32, #tpu.memory_space<vmem>>) target_semaphore(%run_scoped3A : memref<!tpu.dma_semaphore, #tpu.memory_space<semaphore_mem>>)
        %dma_wait3A = arith.constant 256 : i32
        %dma_wait3A_533 = tpu.memref_slice %arg14[%dma_wait3A] : memref<512xf32, #tpu.memory_space<vmem_shared>> -> memref<256xf32, #tpu.memory_space<vmem_shared>>
        %dma_wait3A_534 = arith.constant 256 : i32
        %dma_wait3A_535 = tpu.memref_slice %arg14[%dma_wait3A_534] : memref<512xf32, #tpu.memory_space<vmem_shared>> -> memref<256xf32, #tpu.memory_space<vmem_shared>>
        tpu.wait_dma2 semaphore(%run_scoped3A : memref<!tpu.dma_semaphore, #tpu.memory_space<semaphore_mem>>) src(%dma_wait3A_535 : memref<256xf32, #tpu.memory_space<vmem_shared>>) dst(%arg11 : memref<256xf32, #tpu.memory_space<vmem>>)
        tpu.yield
      }) : () -> ()
      %mul3A_130 = arith.constant 16 : i32
      %mul3A_131 = vector.broadcast %mul3A_130 : i32 to vector<16xi32>
      %mul3A_132 = arith.muli %iota3A, %mul3A_131 : vector<16xi32>
      %gather3A_133 = tpu.vector_load_idx %arg11[%mul3A_132] : memref<256xf32, #tpu.memory_space<vmem>>[vector<16xi32>], vector<16xf32>,
      %swap3A_134 = arith.constant 0 : index
      %swap3A_135 = tpu.vector_load %arg9[%swap3A_134] {strides = array<i32>} : memref<16xf32, #tpu.memory_space<vmem>>, vector<16xf32>,
      tpu.vector_store %arg9[%swap3A_134], %gather3A_133 {strides = array<i32>} : memref<16xf32, #tpu.memory_space<vmem>>, vector<16xf32>,
      %xor3A_136 = arith.constant 8 : i32
      %xor3A_137 = vector.broadcast %xor3A_136 : i32 to vector<16xi32>
      %xor3A_138 = arith.xori %iota3A, %xor3A_137 : vector<16xi32>
      %gather3A_139 = tpu.vector_load_idx %arg9[%xor3A_138] : memref<16xf32, #tpu.memory_space<vmem>>[vector<16xi32>], vector<16xf32>,
      %add3A_140 = arith.addf %gather3A_133, %gather3A_139 : vector<16xf32>
      %swap3A_141 = arith.constant 0 : index
      %swap3A_142 = tpu.vector_load %arg9[%swap3A_141] {strides = array<i32>} : memref<16xf32, #tpu.memory_space<vmem>>, vector<16xf32>,
      tpu.vector_store %arg9[%swap3A_141], %add3A_140 {strides = array<i32>} : memref<16xf32, #tpu.memory_space<vmem>>, vector<16xf32>,
      %xor3A_143 = arith.constant 4 : i32
      %xor3A_144 = vector.broadcast %xor3A_143 : i32 to vector<16xi32>
      %xor3A_145 = arith.xori %iota3A, %xor3A_144 : vector<16xi32>
      %gather3A_146 = tpu.vector_load_idx %arg9[%xor3A_145] : memref<16xf32, #tpu.memory_space<vmem>>[vector<16xi32>], vector<16xf32>,
      %add3A_147 = arith.addf %add3A_140, %gather3A_146 : vector<16xf32>
      %swap3A_148 = arith.constant 0 : index
      %swap3A_149 = tpu.vector_load %arg9[%swap3A_148] {strides = array<i32>} : memref<16xf32, #tpu.memory_space<vmem>>, vector<16xf32>,
      tpu.vector_store %arg9[%swap3A_148], %add3A_147 {strides = array<i32>} : memref<16xf32, #tpu.memory_space<vmem>>, vector<16xf32>,
      %xor3A_150 = arith.constant 2 : i32
      %xor3A_151 = vector.broadcast %xor3A_150 : i32 to vector<16xi32>
      %xor3A_152 = arith.xori %iota3A, %xor3A_151 : vector<16xi32>
      %gather3A_153 = tpu.vector_load_idx %arg9[%xor3A_152] : memref<16xf32, #tpu.memory_space<vmem>>[vector<16xi32>], vector<16xf32>,
      %add3A_154 = arith.addf %add3A_147, %gather3A_153 : vector<16xf32>
      %swap3A_155 = arith.constant 0 : index
      %swap3A_156 = tpu.vector_load %arg9[%swap3A_155] {strides = array<i32>} : memref<16xf32, #tpu.memory_space<vmem>>, vector<16xf32>,
      tpu.vector_store %arg9[%swap3A_155], %add3A_154 {strides = array<i32>} : memref<16xf32, #tpu.memory_space<vmem>>, vector<16xf32>,
      %xor3A_157 = arith.constant 1 : i32
      %xor3A_158 = vector.broadcast %xor3A_157 : i32 to vector<16xi32>
      %xor3A_159 = arith.xori %iota3A, %xor3A_158 : vector<16xi32>
      %gather3A_160 = tpu.vector_load_idx %arg9[%xor3A_159] : memref<16xf32, #tpu.memory_space<vmem>>[vector<16xi32>], vector<16xf32>,
      %add3A_161 = arith.addf %add3A_154, %gather3A_160 : vector<16xf32>
      %div3A = arith.constant 1.000000e+00 : f32
      %div3A_162 = vector.broadcast %div3A : f32 to vector<16xf32>
      %div3A_163 = arith.divf %div3A_162, %add3A_161 : vector<16xf32>
      %broadcast_in_dim3A_164 = arith.constant 0 : i32
      %broadcast_in_dim3A_165 = vector.broadcast %broadcast_in_dim3A_164 : i32 to vector<16xi32>
      %broadcast_in_dim3A_166 = arith.constant 1 : i32
      %broadcast_in_dim3A_167 = vector.broadcast %broadcast_in_dim3A_166 : i32 to vector<16xi32>
      %add3A_168 = vector.broadcast %squeeze3A_5 : i32 to vector<16xi32>
      %add3A_169 = arith.addi %broadcast_in_dim3A_165, %add3A_168 : vector<16xi32>
      %scan3A_170 = arith.constant 0 : i32
      %scan3A_171 = arith.constant 7 : i32
      %scan3A_172 = arith.addi %scan3A_170, %scan3A_171 : i32
      %scan3A_173 = arith.constant 1 : i32
      %scan3A_174:3 = scf.for %scan3A_530 = %scan3A_170 to %scan3A_172 step %scan3A_173 iter_args(%scan3A_531 = %broadcast_in_dim3A_165, %scan3A_532 = %broadcast_in_dim3A_165, %scan3A_533 = %add3A_169) -> (vector<16xi32>, vector<16xi32>, vector<16xi32>)  : i32 {
        %mul3A_534 = arith.constant 4 : i32
        %mul3A_535 = arith.muli %mul3A_534, %scan3A_530 : i32
        %sub3A_536 = arith.constant 28 : i32
        %sub3A_537 = arith.subi %sub3A_536, %mul3A_535 : i32
        %add3A_538 = vector.broadcast %sub3A_537 : i32 to vector<16xi32>
        %add3A_539 = arith.addi %broadcast_in_dim3A_165, %add3A_538 : vector<16xi32>
        %scan3A_540 = arith.constant 0 : i32
        %scan3A_541 = arith.constant 0 : i32
        %scan3A_542 = arith.constant 16 : i32
        %scan3A_543 = arith.addi %scan3A_541, %scan3A_542 : i32
        %scan3A_544 = arith.constant 1 : i32
        scf.for %scan3A_844 = %scan3A_541 to %scan3A_543 step %scan3A_544  : i32 {
          %mul3A_845 = arith.constant 16 : i32
          %mul3A_846 = arith.muli %scan3A_844, %mul3A_845 : i32
          %swap3A_847 = arith.index_cast %mul3A_846 : i32 to index
          %swap3A_848 = tpu.vector_load %arg13[%swap3A_847] {strides = array<i32>} : memref<256xi32, #tpu.memory_space<vmem>>, vector<16xi32>,
          tpu.vector_store %arg13[%swap3A_847], %broadcast_in_dim3A_165 {strides = array<i32>} : memref<256xi32, #tpu.memory_space<vmem>>, vector<16xi32>,
        }
        %scan3A_545 = arith.constant 16 : i32
        %scan3A_546 = arith.constant 0 : i32
        %scan3A_547 = arith.constant 0 : i32
        %scan3A_548 = arith.constant 32 : i32
        %scan3A_549 = arith.addi %scan3A_547, %scan3A_548 : i32
        %scan3A_550 = arith.constant 1 : i32
        scf.for %scan3A_844 = %scan3A_547 to %scan3A_549 step %scan3A_550  : i32 {
          %mul3A_845 = arith.constant 16 : i32
          %mul3A_846 = arith.muli %scan3A_844, %mul3A_845 : i32
          %get3A_847 = arith.index_cast %mul3A_846 : i32 to index
          %get3A_848 = tpu.vector_load %arg7[%get3A_847] {strides = array<i32>} : memref<512xi32, #tpu.memory_space<vmem>>, vector<16xi32>,
          %shift_right_logical3A = arith.shrui %get3A_848, %add3A_539 : vector<16xi32>
          %and3A_849 = arith.constant 15 : i32
          %and3A_850 = vector.broadcast %and3A_849 : i32 to vector<16xi32>
          %and3A_851 = arith.andi %shift_right_logical3A, %and3A_850 : vector<16xi32>
          %and3A_852 = arith.andi %get3A_848, %scan3A_532 : vector<16xi32>
          %eq3A_853 = arith.cmpi eq, %and3A_852, %scan3A_531 : vector<16xi32>
          %mul3A_854 = arith.constant 16 : i32
          %mul3A_855 = vector.broadcast %mul3A_854 : i32 to vector<16xi32>
          %mul3A_856 = arith.muli %and3A_851, %mul3A_855 : vector<16xi32>
          %add3A_857 = arith.addi %mul3A_856, %iota3A : vector<16xi32>
          tpu.vector_store_idx %arg13[%add3A_857], %broadcast_in_dim3A_167 masked %eq3A_853 {add = true} : memref<256xi32, #tpu.memory_space<vmem>>[vector<16xi32>], vector<16xi32>, vector<16xi1>
        }
        %scan3A_551 = arith.constant 32 : i32
        %mul3A_552 = arith.constant 16 : i32
        %mul3A_553 = vector.broadcast %mul3A_552 : i32 to vector<16xi32>
        %mul3A_554 = arith.muli %iota3A, %mul3A_553 : vector<16xi32>
        %add3A_555 = arith.constant 0 : i32
        %add3A_556 = vector.broadcast %add3A_555 : i32 to vector<16xi32>
        %add3A_557 = arith.addi %mul3A_554, %add3A_556 : vector<16xi32>
        %gather3A_558 = tpu.vector_load_idx %arg13[%add3A_557] : memref<256xi32, #tpu.memory_space<vmem>>[vector<16xi32>], vector<16xi32>,
        %add3A_559 = arith.addi %broadcast_in_dim3A_165, %gather3A_558 : vector<16xi32>
        %mul3A_560 = arith.constant 16 : i32
        %mul3A_561 = vector.broadcast %mul3A_560 : i32 to vector<16xi32>
        %mul3A_562 = arith.muli %iota3A, %mul3A_561 : vector<16xi32>
        %add3A_563 = arith.constant 1 : i32
        %add3A_564 = vector.broadcast %add3A_563 : i32 to vector<16xi32>
        %add3A_565 = arith.addi %mul3A_562, %add3A_564 : vector<16xi32>
        %gather3A_566 = tpu.vector_load_idx %arg13[%add3A_565] : memref<256xi32, #tpu.memory_space<vmem>>[vector<16xi32>], vector<16xi32>,
        %add3A_567 = arith.addi %add3A_559, %gather3A_566 : vector<16xi32>
        %mul3A_568 = arith.constant 16 : i32
        %mul3A_569 = vector.broadcast %mul3A_568 : i32 to vector<16xi32>
        %mul3A_570 = arith.muli %iota3A, %mul3A_569 : vector<16xi32>
        %add3A_571 = arith.constant 2 : i32
        %add3A_572 = vector.broadcast %add3A_571 : i32 to vector<16xi32>
        %add3A_573 = arith.addi %mul3A_570, %add3A_572 : vector<16xi32>
        %gather3A_574 = tpu.vector_load_idx %arg13[%add3A_573] : memref<256xi32, #tpu.memory_space<vmem>>[vector<16xi32>], vector<16xi32>,
        %add3A_575 = arith.addi %add3A_567, %gather3A_574 : vector<16xi32>
        %mul3A_576 = arith.constant 16 : i32
        %mul3A_577 = vector.broadcast %mul3A_576 : i32 to vector<16xi32>
        %mul3A_578 = arith.muli %iota3A, %mul3A_577 : vector<16xi32>
        %add3A_579 = arith.constant 3 : i32
        %add3A_580 = vector.broadcast %add3A_579 : i32 to vector<16xi32>
        %add3A_581 = arith.addi %mul3A_578, %add3A_580 : vector<16xi32>
        %gather3A_582 = tpu.vector_load_idx %arg13[%add3A_581] : memref<256xi32, #tpu.memory_space<vmem>>[vector<16xi32>], vector<16xi32>,
        %add3A_583 = arith.addi %add3A_575, %gather3A_582 : vector<16xi32>
        %mul3A_584 = arith.constant 16 : i32
        %mul3A_585 = vector.broadcast %mul3A_584 : i32 to vector<16xi32>
        %mul3A_586 = arith.muli %iota3A, %mul3A_585 : vector<16xi32>
        %add3A_587 = arith.constant 4 : i32
        %add3A_588 = vector.broadcast %add3A_587 : i32 to vector<16xi32>
        %add3A_589 = arith.addi %mul3A_586, %add3A_588 : vector<16xi32>
        %gather3A_590 = tpu.vector_load_idx %arg13[%add3A_589] : memref<256xi32, #tpu.memory_space<vmem>>[vector<16xi32>], vector<16xi32>,
        %add3A_591 = arith.addi %add3A_583, %gather3A_590 : vector<16xi32>
        %mul3A_592 = arith.constant 16 : i32
        %mul3A_593 = vector.broadcast %mul3A_592 : i32 to vector<16xi32>
        %mul3A_594 = arith.muli %iota3A, %mul3A_593 : vector<16xi32>
        %add3A_595 = arith.constant 5 : i32
        %add3A_596 = vector.broadcast %add3A_595 : i32 to vector<16xi32>
        %add3A_597 = arith.addi %mul3A_594, %add3A_596 : vector<16xi32>
        %gather3A_598 = tpu.vector_load_idx %arg13[%add3A_597] : memref<256xi32, #tpu.memory_space<vmem>>[vector<16xi32>], vector<16xi32>,
        %add3A_599 = arith.addi %add3A_591, %gather3A_598 : vector<16xi32>
        %mul3A_600 = arith.constant 16 : i32
        %mul3A_601 = vector.broadcast %mul3A_600 : i32 to vector<16xi32>
        %mul3A_602 = arith.muli %iota3A, %mul3A_601 : vector<16xi32>
        %add3A_603 = arith.constant 6 : i32
        %add3A_604 = vector.broadcast %add3A_603 : i32 to vector<16xi32>
        %add3A_605 = arith.addi %mul3A_602, %add3A_604 : vector<16xi32>
        %gather3A_606 = tpu.vector_load_idx %arg13[%add3A_605] : memref<256xi32, #tpu.memory_space<vmem>>[vector<16xi32>], vector<16xi32>,
        %add3A_607 = arith.addi %add3A_599, %gather3A_606 : vector<16xi32>
        %mul3A_608 = arith.constant 16 : i32
        %mul3A_609 = vector.broadcast %mul3A_608 : i32 to vector<16xi32>
        %mul3A_610 = arith.muli %iota3A, %mul3A_609 : vector<16xi32>
        %add3A_611 = arith.constant 7 : i32
        %add3A_612 = vector.broadcast %add3A_611 : i32 to vector<16xi32>
        %add3A_613 = arith.addi %mul3A_610, %add3A_612 : vector<16xi32>
        %gather3A_614 = tpu.vector_load_idx %arg13[%add3A_613] : memref<256xi32, #tpu.memory_space<vmem>>[vector<16xi32>], vector<16xi32>,
        %add3A_615 = arith.addi %add3A_607, %gather3A_614 : vector<16xi32>
        %mul3A_616 = arith.constant 16 : i32
        %mul3A_617 = vector.broadcast %mul3A_616 : i32 to vector<16xi32>
        %mul3A_618 = arith.muli %iota3A, %mul3A_617 : vector<16xi32>
        %add3A_619 = arith.constant 8 : i32
        %add3A_620 = vector.broadcast %add3A_619 : i32 to vector<16xi32>
        %add3A_621 = arith.addi %mul3A_618, %add3A_620 : vector<16xi32>
        %gather3A_622 = tpu.vector_load_idx %arg13[%add3A_621] : memref<256xi32, #tpu.memory_space<vmem>>[vector<16xi32>], vector<16xi32>,
        %add3A_623 = arith.addi %add3A_615, %gather3A_622 : vector<16xi32>
        %mul3A_624 = arith.constant 16 : i32
        %mul3A_625 = vector.broadcast %mul3A_624 : i32 to vector<16xi32>
        %mul3A_626 = arith.muli %iota3A, %mul3A_625 : vector<16xi32>
        %add3A_627 = arith.constant 9 : i32
        %add3A_628 = vector.broadcast %add3A_627 : i32 to vector<16xi32>
        %add3A_629 = arith.addi %mul3A_626, %add3A_628 : vector<16xi32>
        %gather3A_630 = tpu.vector_load_idx %arg13[%add3A_629] : memref<256xi32, #tpu.memory_space<vmem>>[vector<16xi32>], vector<16xi32>,
        %add3A_631 = arith.addi %add3A_623, %gather3A_630 : vector<16xi32>
        %mul3A_632 = arith.constant 16 : i32
        %mul3A_633 = vector.broadcast %mul3A_632 : i32 to vector<16xi32>
        %mul3A_634 = arith.muli %iota3A, %mul3A_633 : vector<16xi32>
        %add3A_635 = arith.constant 10 : i32
        %add3A_636 = vector.broadcast %add3A_635 : i32 to vector<16xi32>
        %add3A_637 = arith.addi %mul3A_634, %add3A_636 : vector<16xi32>
        %gather3A_638 = tpu.vector_load_idx %arg13[%add3A_637] : memref<256xi32, #tpu.memory_space<vmem>>[vector<16xi32>], vector<16xi32>,
        %add3A_639 = arith.addi %add3A_631, %gather3A_638 : vector<16xi32>
        %mul3A_640 = arith.constant 16 : i32
        %mul3A_641 = vector.broadcast %mul3A_640 : i32 to vector<16xi32>
        %mul3A_642 = arith.muli %iota3A, %mul3A_641 : vector<16xi32>
        %add3A_643 = arith.constant 11 : i32
        %add3A_644 = vector.broadcast %add3A_643 : i32 to vector<16xi32>
        %add3A_645 = arith.addi %mul3A_642, %add3A_644 : vector<16xi32>
        %gather3A_646 = tpu.vector_load_idx %arg13[%add3A_645] : memref<256xi32, #tpu.memory_space<vmem>>[vector<16xi32>], vector<16xi32>,
        %add3A_647 = arith.addi %add3A_639, %gather3A_646 : vector<16xi32>
        %mul3A_648 = arith.constant 16 : i32
        %mul3A_649 = vector.broadcast %mul3A_648 : i32 to vector<16xi32>
        %mul3A_650 = arith.muli %iota3A, %mul3A_649 : vector<16xi32>
        %add3A_651 = arith.constant 12 : i32
        %add3A_652 = vector.broadcast %add3A_651 : i32 to vector<16xi32>
        %add3A_653 = arith.addi %mul3A_650, %add3A_652 : vector<16xi32>
        %gather3A_654 = tpu.vector_load_idx %arg13[%add3A_653] : memref<256xi32, #tpu.memory_space<vmem>>[vector<16xi32>], vector<16xi32>,
        %add3A_655 = arith.addi %add3A_647, %gather3A_654 : vector<16xi32>
        %mul3A_656 = arith.constant 16 : i32
        %mul3A_657 = vector.broadcast %mul3A_656 : i32 to vector<16xi32>
        %mul3A_658 = arith.muli %iota3A, %mul3A_657 : vector<16xi32>
        %add3A_659 = arith.constant 13 : i32
        %add3A_660 = vector.broadcast %add3A_659 : i32 to vector<16xi32>
        %add3A_661 = arith.addi %mul3A_658, %add3A_660 : vector<16xi32>
        %gather3A_662 = tpu.vector_load_idx %arg13[%add3A_661] : memref<256xi32, #tpu.memory_space<vmem>>[vector<16xi32>], vector<16xi32>,
        %add3A_663 = arith.addi %add3A_655, %gather3A_662 : vector<16xi32>
        %mul3A_664 = arith.constant 16 : i32
        %mul3A_665 = vector.broadcast %mul3A_664 : i32 to vector<16xi32>
        %mul3A_666 = arith.muli %iota3A, %mul3A_665 : vector<16xi32>
        %add3A_667 = arith.constant 14 : i32
        %add3A_668 = vector.broadcast %add3A_667 : i32 to vector<16xi32>
        %add3A_669 = arith.addi %mul3A_666, %add3A_668 : vector<16xi32>
        %gather3A_670 = tpu.vector_load_idx %arg13[%add3A_669] : memref<256xi32, #tpu.memory_space<vmem>>[vector<16xi32>], vector<16xi32>,
        %add3A_671 = arith.addi %add3A_663, %gather3A_670 : vector<16xi32>
        %mul3A_672 = arith.constant 16 : i32
        %mul3A_673 = vector.broadcast %mul3A_672 : i32 to vector<16xi32>
        %mul3A_674 = arith.muli %iota3A, %mul3A_673 : vector<16xi32>
        %add3A_675 = arith.constant 15 : i32
        %add3A_676 = vector.broadcast %add3A_675 : i32 to vector<16xi32>
        %add3A_677 = arith.addi %mul3A_674, %add3A_676 : vector<16xi32>
        %gather3A_678 = tpu.vector_load_idx %arg13[%add3A_677] : memref<256xi32, #tpu.memory_space<vmem>>[vector<16xi32>], vector<16xi32>,
        %add3A_679 = arith.addi %add3A_671, %gather3A_678 : vector<16xi32>
        %swap3A_680 = arith.constant 0 : index
        %swap3A_681 = tpu.vector_load %arg10[%swap3A_680] {strides = array<i32>} : memref<16xi32, #tpu.memory_space<vmem>>, vector<16xi32>,
        tpu.vector_store %arg10[%swap3A_680], %add3A_679 {strides = array<i32>} : memref<16xi32, #tpu.memory_space<vmem>>, vector<16xi32>,
        %jit3A_682 = arith.constant 2 : i32
        %eq3A = arith.constant 0 : i32
        %eq3A_683 = arith.cmpi eq, %jit3A_682, %eq3A : i32
        %jit3A_684 = arith.constant 1 : i32
        %select_n3A_685 = arith.select %eq3A_683, %jit3A_684, %jit3A_682 : i32
        %rem3A = arith.remsi %scan3A_530, %select_n3A_685 : i32
        %ne3A = arith.constant 0 : i32
        %ne3A_686 = arith.cmpi ne, %rem3A, %ne3A : i32
        %lt3A_687 = arith.constant 0 : i32
        %lt3A_688 = arith.cmpi slt, %rem3A, %lt3A_687 : i32
        %lt3A_689 = arith.constant 0 : i32
        %lt3A_690 = arith.cmpi slt, %select_n3A_685, %lt3A_689 : i32
        %ne3A_691 = arith.xori %lt3A_688, %lt3A_690 : i1
        %and3A = arith.andi %ne3A_691, %ne3A_686 : i1
        %add3A_692 = arith.addi %rem3A, %select_n3A_685 : i32
        %select_n3A_693 = arith.select %and3A, %add3A_692, %rem3A : i32
        %mul3A_694 = arith.constant 256 : i32
        %mul3A_695 = arith.muli %select_n3A_693, %mul3A_694 : i32
        %mul3A_696 = arith.constant 16 : i32
        %mul3A_697 = arith.muli %arg1, %mul3A_696 : i32
        %add3A_698 = arith.addi %mul3A_695, %mul3A_697 : i32
        "tpu.region"() ({
          %run_scoped3A = tpu.sem_alloc : memref<!tpu.dma_semaphore, #tpu.memory_space<semaphore_mem>>
          %dma_start3A = tpu.memref_slice %arg15[%add3A_698] : memref<512xi32, #tpu.memory_space<vmem_shared>> -> memref<16xi32, #tpu.memory_space<vmem_shared>>
          %dma_start3A_844 = tpu.memref_slice %arg15[%add3A_698] : memref<512xi32, #tpu.memory_space<vmem_shared>> -> memref<16xi32, #tpu.memory_space<vmem_shared>>
          tpu.enqueue_dma source(%arg10 : memref<16xi32, #tpu.memory_space<vmem>>) target(%dma_start3A_844 : memref<16xi32, #tpu.memory_space<vmem_shared>>) target_semaphore(%run_scoped3A : memref<!tpu.dma_semaphore, #tpu.memory_space<semaphore_mem>>)
          %dma_wait3A = tpu.memref_slice %arg15[%add3A_698] : memref<512xi32, #tpu.memory_space<vmem_shared>> -> memref<16xi32, #tpu.memory_space<vmem_shared>>
          %dma_wait3A_845 = tpu.memref_slice %arg15[%add3A_698] : memref<512xi32, #tpu.memory_space<vmem_shared>> -> memref<16xi32, #tpu.memory_space<vmem_shared>>
          tpu.wait_dma2 semaphore(%run_scoped3A : memref<!tpu.dma_semaphore, #tpu.memory_space<semaphore_mem>>) src(%arg10 : memref<16xi32, #tpu.memory_space<vmem>>) dst(%dma_wait3A_845 : memref<16xi32, #tpu.memory_space<vmem_shared>>)
          tpu.yield
        }) : () -> ()
        %barrier3A_699 = arith.constant 0 : index
        tpu.barrier barrier_id(%barrier3A_699)
        %jit3A_700 = arith.constant 2 : i32
        %eq3A_701 = arith.constant 0 : i32
        %eq3A_702 = arith.cmpi eq, %jit3A_700, %eq3A_701 : i32
        %jit3A_703 = arith.constant 1 : i32
        %select_n3A_704 = arith.select %eq3A_702, %jit3A_703, %jit3A_700 : i32
        %rem3A_705 = arith.remsi %scan3A_530, %select_n3A_704 : i32
        %ne3A_706 = arith.constant 0 : i32
        %ne3A_707 = arith.cmpi ne, %rem3A_705, %ne3A_706 : i32
        %lt3A_708 = arith.constant 0 : i32
        %lt3A_709 = arith.cmpi slt, %rem3A_705, %lt3A_708 : i32
        %lt3A_710 = arith.constant 0 : i32
        %lt3A_711 = arith.cmpi slt, %select_n3A_704, %lt3A_710 : i32
        %ne3A_712 = arith.xori %lt3A_709, %lt3A_711 : i1
        %and3A_713 = arith.andi %ne3A_712, %ne3A_707 : i1
        %add3A_714 = arith.addi %rem3A_705, %select_n3A_704 : i32
        %select_n3A_715 = arith.select %and3A_713, %add3A_714, %rem3A_705 : i32
        %mul3A_716 = arith.constant 256 : i32
        %mul3A_717 = arith.muli %select_n3A_715, %mul3A_716 : i32
        "tpu.region"() ({
          %run_scoped3A = tpu.sem_alloc : memref<!tpu.dma_semaphore, #tpu.memory_space<semaphore_mem>>
          %dma_start3A = tpu.memref_slice %arg15[%mul3A_717] : memref<512xi32, #tpu.memory_space<vmem_shared>> -> memref<256xi32, #tpu.memory_space<vmem_shared>>
          %dma_start3A_844 = tpu.memref_slice %arg15[%mul3A_717] : memref<512xi32, #tpu.memory_space<vmem_shared>> -> memref<256xi32, #tpu.memory_space<vmem_shared>>
          tpu.enqueue_dma source(%dma_start3A_844 : memref<256xi32, #tpu.memory_space<vmem_shared>>) target(%arg12 : memref<256xi32, #tpu.memory_space<vmem>>) target_semaphore(%run_scoped3A : memref<!tpu.dma_semaphore, #tpu.memory_space<semaphore_mem>>)
          %dma_wait3A = tpu.memref_slice %arg15[%mul3A_717] : memref<512xi32, #tpu.memory_space<vmem_shared>> -> memref<256xi32, #tpu.memory_space<vmem_shared>>
          %dma_wait3A_845 = tpu.memref_slice %arg15[%mul3A_717] : memref<512xi32, #tpu.memory_space<vmem_shared>> -> memref<256xi32, #tpu.memory_space<vmem_shared>>
          tpu.wait_dma2 semaphore(%run_scoped3A : memref<!tpu.dma_semaphore, #tpu.memory_space<semaphore_mem>>) src(%dma_wait3A_845 : memref<256xi32, #tpu.memory_space<vmem_shared>>) dst(%arg12 : memref<256xi32, #tpu.memory_space<vmem>>)
          tpu.yield
        }) : () -> ()
        %get3A_718 = arith.constant 0 : index
        %get3A_719 = tpu.vector_load %arg12[%get3A_718] {strides = array<i32>} : memref<256xi32, #tpu.memory_space<vmem>>, vector<16xi32>,
        %add3A_720 = arith.addi %broadcast_in_dim3A_165, %get3A_719 : vector<16xi32>
        %get3A_721 = arith.constant 16 : index
        %get3A_722 = tpu.vector_load %arg12[%get3A_721] {strides = array<i32>} : memref<256xi32, #tpu.memory_space<vmem>>, vector<16xi32>,
        %add3A_723 = arith.addi %add3A_720, %get3A_722 : vector<16xi32>
        %get3A_724 = arith.constant 32 : index
        %get3A_725 = tpu.vector_load %arg12[%get3A_724] {strides = array<i32>} : memref<256xi32, #tpu.memory_space<vmem>>, vector<16xi32>,
        %add3A_726 = arith.addi %add3A_723, %get3A_725 : vector<16xi32>
        %get3A_727 = arith.constant 48 : index
        %get3A_728 = tpu.vector_load %arg12[%get3A_727] {strides = array<i32>} : memref<256xi32, #tpu.memory_space<vmem>>, vector<16xi32>,
        %add3A_729 = arith.addi %add3A_726, %get3A_728 : vector<16xi32>
        %get3A_730 = arith.constant 64 : index
        %get3A_731 = tpu.vector_load %arg12[%get3A_730] {strides = array<i32>} : memref<256xi32, #tpu.memory_space<vmem>>, vector<16xi32>,
        %add3A_732 = arith.addi %add3A_729, %get3A_731 : vector<16xi32>
        %get3A_733 = arith.constant 80 : index
        %get3A_734 = tpu.vector_load %arg12[%get3A_733] {strides = array<i32>} : memref<256xi32, #tpu.memory_space<vmem>>, vector<16xi32>,
        %add3A_735 = arith.addi %add3A_732, %get3A_734 : vector<16xi32>
        %get3A_736 = arith.constant 96 : index
        %get3A_737 = tpu.vector_load %arg12[%get3A_736] {strides = array<i32>} : memref<256xi32, #tpu.memory_space<vmem>>, vector<16xi32>,
        %add3A_738 = arith.addi %add3A_735, %get3A_737 : vector<16xi32>
        %get3A_739 = arith.constant 112 : index
        %get3A_740 = tpu.vector_load %arg12[%get3A_739] {strides = array<i32>} : memref<256xi32, #tpu.memory_space<vmem>>, vector<16xi32>,
        %add3A_741 = arith.addi %add3A_738, %get3A_740 : vector<16xi32>
        %get3A_742 = arith.constant 128 : index
        %get3A_743 = tpu.vector_load %arg12[%get3A_742] {strides = array<i32>} : memref<256xi32, #tpu.memory_space<vmem>>, vector<16xi32>,
        %add3A_744 = arith.addi %add3A_741, %get3A_743 : vector<16xi32>
        %get3A_745 = arith.constant 144 : index
        %get3A_746 = tpu.vector_load %arg12[%get3A_745] {strides = array<i32>} : memref<256xi32, #tpu.memory_space<vmem>>, vector<16xi32>,
        %add3A_747 = arith.addi %add3A_744, %get3A_746 : vector<16xi32>
        %get3A_748 = arith.constant 160 : index
        %get3A_749 = tpu.vector_load %arg12[%get3A_748] {strides = array<i32>} : memref<256xi32, #tpu.memory_space<vmem>>, vector<16xi32>,
        %add3A_750 = arith.addi %add3A_747, %get3A_749 : vector<16xi32>
        %get3A_751 = arith.constant 176 : index
        %get3A_752 = tpu.vector_load %arg12[%get3A_751] {strides = array<i32>} : memref<256xi32, #tpu.memory_space<vmem>>, vector<16xi32>,
        %add3A_753 = arith.addi %add3A_750, %get3A_752 : vector<16xi32>
        %get3A_754 = arith.constant 192 : index
        %get3A_755 = tpu.vector_load %arg12[%get3A_754] {strides = array<i32>} : memref<256xi32, #tpu.memory_space<vmem>>, vector<16xi32>,
        %add3A_756 = arith.addi %add3A_753, %get3A_755 : vector<16xi32>
        %get3A_757 = arith.constant 208 : index
        %get3A_758 = tpu.vector_load %arg12[%get3A_757] {strides = array<i32>} : memref<256xi32, #tpu.memory_space<vmem>>, vector<16xi32>,
        %add3A_759 = arith.addi %add3A_756, %get3A_758 : vector<16xi32>
        %get3A_760 = arith.constant 224 : index
        %get3A_761 = tpu.vector_load %arg12[%get3A_760] {strides = array<i32>} : memref<256xi32, #tpu.memory_space<vmem>>, vector<16xi32>,
        %add3A_762 = arith.addi %add3A_759, %get3A_761 : vector<16xi32>
        %get3A_763 = arith.constant 240 : index
        %get3A_764 = tpu.vector_load %arg12[%get3A_763] {strides = array<i32>} : memref<256xi32, #tpu.memory_space<vmem>>, vector<16xi32>,
        %add3A_765 = arith.addi %add3A_762, %get3A_764 : vector<16xi32>
        %swap3A_766 = arith.constant 0 : index
        %swap3A_767 = tpu.vector_load %arg10[%swap3A_766] {strides = array<i32>} : memref<16xi32, #tpu.memory_space<vmem>>, vector<16xi32>,
        tpu.vector_store %arg10[%swap3A_766], %add3A_765 {strides = array<i32>} : memref<16xi32, #tpu.memory_space<vmem>>, vector<16xi32>,
        %sub3A_768 = arith.constant 1 : i32
        %sub3A_769 = vector.broadcast %sub3A_768 : i32 to vector<16xi32>
        %sub3A_770 = arith.subi %iota3A, %sub3A_769 : vector<16xi32>
        %max3A_771 = arith.constant 0 : i32
        %max3A_772 = vector.broadcast %max3A_771 : i32 to vector<16xi32>
        %max3A_773 = arith.maxsi %sub3A_770, %max3A_772 : vector<16xi32>
        %gather3A_774 = tpu.vector_load_idx %arg10[%max3A_773] : memref<16xi32, #tpu.memory_space<vmem>>[vector<16xi32>], vector<16xi32>,
        %ge3A_775 = arith.constant 1 : i32
        %ge3A_776 = vector.broadcast %ge3A_775 : i32 to vector<16xi32>
        %ge3A_777 = arith.cmpi sge, %iota3A, %ge3A_776 : vector<16xi32>
        %jit3A_778 = arith.constant 0 : i32
        %broadcast_in_dim3A_779 = vector.broadcast %jit3A_778 : i32 to vector<16xi32>
        %select_n3A_780 = arith.select %ge3A_777, %gather3A_774, %broadcast_in_dim3A_779 : vector<16xi1>, vector<16xi32>
        %add3A_781 = arith.addi %add3A_765, %select_n3A_780 : vector<16xi32>
        %swap3A_782 = arith.constant 0 : index
        %swap3A_783 = tpu.vector_load %arg10[%swap3A_782] {strides = array<i32>} : memref<16xi32, #tpu.memory_space<vmem>>, vector<16xi32>,
        tpu.vector_store %arg10[%swap3A_782], %add3A_781 {strides = array<i32>} : memref<16xi32, #tpu.memory_space<vmem>>, vector<16xi32>,
        %sub3A_784 = arith.constant 2 : i32
        %sub3A_785 = vector.broadcast %sub3A_784 : i32 to vector<16xi32>
        %sub3A_786 = arith.subi %iota3A, %sub3A_785 : vector<16xi32>
        %max3A_787 = arith.constant 0 : i32
        %max3A_788 = vector.broadcast %max3A_787 : i32 to vector<16xi32>
        %max3A_789 = arith.maxsi %sub3A_786, %max3A_788 : vector<16xi32>
        %gather3A_790 = tpu.vector_load_idx %arg10[%max3A_789] : memref<16xi32, #tpu.memory_space<vmem>>[vector<16xi32>], vector<16xi32>,
        %ge3A_791 = arith.constant 2 : i32
        %ge3A_792 = vector.broadcast %ge3A_791 : i32 to vector<16xi32>
        %ge3A_793 = arith.cmpi sge, %iota3A, %ge3A_792 : vector<16xi32>
        %jit3A_794 = arith.constant 0 : i32
        %broadcast_in_dim3A_795 = vector.broadcast %jit3A_794 : i32 to vector<16xi32>
        %select_n3A_796 = arith.select %ge3A_793, %gather3A_790, %broadcast_in_dim3A_795 : vector<16xi1>, vector<16xi32>
        %add3A_797 = arith.addi %add3A_781, %select_n3A_796 : vector<16xi32>
        %swap3A_798 = arith.constant 0 : index
        %swap3A_799 = tpu.vector_load %arg10[%swap3A_798] {strides = array<i32>} : memref<16xi32, #tpu.memory_space<vmem>>, vector<16xi32>,
        tpu.vector_store %arg10[%swap3A_798], %add3A_797 {strides = array<i32>} : memref<16xi32, #tpu.memory_space<vmem>>, vector<16xi32>,
        %sub3A_800 = arith.constant 4 : i32
        %sub3A_801 = vector.broadcast %sub3A_800 : i32 to vector<16xi32>
        %sub3A_802 = arith.subi %iota3A, %sub3A_801 : vector<16xi32>
        %max3A_803 = arith.constant 0 : i32
        %max3A_804 = vector.broadcast %max3A_803 : i32 to vector<16xi32>
        %max3A_805 = arith.maxsi %sub3A_802, %max3A_804 : vector<16xi32>
        %gather3A_806 = tpu.vector_load_idx %arg10[%max3A_805] : memref<16xi32, #tpu.memory_space<vmem>>[vector<16xi32>], vector<16xi32>,
        %ge3A_807 = arith.constant 4 : i32
        %ge3A_808 = vector.broadcast %ge3A_807 : i32 to vector<16xi32>
        %ge3A_809 = arith.cmpi sge, %iota3A, %ge3A_808 : vector<16xi32>
        %jit3A_810 = arith.constant 0 : i32
        %broadcast_in_dim3A_811 = vector.broadcast %jit3A_810 : i32 to vector<16xi32>
        %select_n3A_812 = arith.select %ge3A_809, %gather3A_806, %broadcast_in_dim3A_811 : vector<16xi1>, vector<16xi32>
        %add3A_813 = arith.addi %add3A_797, %select_n3A_812 : vector<16xi32>
        %swap3A_814 = arith.constant 0 : index
        %swap3A_815 = tpu.vector_load %arg10[%swap3A_814] {strides = array<i32>} : memref<16xi32, #tpu.memory_space<vmem>>, vector<16xi32>,
        tpu.vector_store %arg10[%swap3A_814], %add3A_813 {strides = array<i32>} : memref<16xi32, #tpu.memory_space<vmem>>, vector<16xi32>,
        %sub3A_816 = arith.constant 8 : i32
        %sub3A_817 = vector.broadcast %sub3A_816 : i32 to vector<16xi32>
        %sub3A_818 = arith.subi %iota3A, %sub3A_817 : vector<16xi32>
        %max3A_819 = arith.constant 0 : i32
        %max3A_820 = vector.broadcast %max3A_819 : i32 to vector<16xi32>
        %max3A_821 = arith.maxsi %sub3A_818, %max3A_820 : vector<16xi32>
        %gather3A_822 = tpu.vector_load_idx %arg10[%max3A_821] : memref<16xi32, #tpu.memory_space<vmem>>[vector<16xi32>], vector<16xi32>,
        %ge3A_823 = arith.constant 8 : i32
        %ge3A_824 = vector.broadcast %ge3A_823 : i32 to vector<16xi32>
        %ge3A_825 = arith.cmpi sge, %iota3A, %ge3A_824 : vector<16xi32>
        %jit3A_826 = arith.constant 0 : i32
        %broadcast_in_dim3A_827 = vector.broadcast %jit3A_826 : i32 to vector<16xi32>
        %select_n3A_828 = arith.select %ge3A_825, %gather3A_822, %broadcast_in_dim3A_827 : vector<16xi1>, vector<16xi32>
        %add3A_829 = arith.addi %add3A_813, %select_n3A_828 : vector<16xi32>
        %lt3A_830 = arith.cmpi slt, %add3A_829, %scan3A_533 : vector<16xi32>
        %all_reduce_population_count3A_831 = tpu.all_reduce %lt3A_830 {dim = 0 : i64, kind = #tpu.reduction_kind<sum>} : vector<16xi1> -> vector<16xi32>
        %sub3A_832 = arith.subi %add3A_829, %add3A_765 : vector<16xi32>
        %swap3A_833 = arith.constant 0 : index
        %swap3A_834 = tpu.vector_load %arg10[%swap3A_833] {strides = array<i32>} : memref<16xi32, #tpu.memory_space<vmem>>, vector<16xi32>,
        tpu.vector_store %arg10[%swap3A_833], %sub3A_832 {strides = array<i32>} : memref<16xi32, #tpu.memory_space<vmem>>, vector<16xi32>,
        %gather3A_835 = tpu.vector_load_idx %arg10[%all_reduce_population_count3A_831] : memref<16xi32, #tpu.memory_space<vmem>>[vector<16xi32>], vector<16xi32>,
        %shift_left3A_836 = arith.shli %all_reduce_population_count3A_831, %add3A_539 : vector<16xi32>
        %or3A_837 = arith.ori %scan3A_531, %shift_left3A_836 : vector<16xi32>
        %add3A_838 = arith.constant 15 : i32
        %add3A_839 = vector.broadcast %add3A_838 : i32 to vector<16xi32>
        %add3A_840 = arith.addi %broadcast_in_dim3A_165, %add3A_839 : vector<16xi32>
        %shift_left3A_841 = arith.shli %add3A_840, %add3A_539 : vector<16xi32>
        %or3A_842 = arith.ori %scan3A_532, %shift_left3A_841 : vector<16xi32>
        %sub3A_843 = arith.subi %scan3A_533, %gather3A_835 : vector<16xi32>
        scf.yield %or3A_837, %or3A_842, %sub3A_843 : vector<16xi32>, vector<16xi32>, vector<16xi32>
      }
      %scan3A_175 = arith.constant 7 : i32
      %sub3A = arith.constant 28 : i32
      %sub3A_176 = arith.constant 28 : i32
      %sub3A_177 = arith.subi %sub3A, %sub3A_176 : i32
      %add3A_178 = vector.broadcast %sub3A_177 : i32 to vector<16xi32>
      %add3A_179 = arith.addi %broadcast_in_dim3A_165, %add3A_178 : vector<16xi32>
      %scan3A_180 = arith.constant 0 : i32
      %scan3A_181 = arith.constant 0 : i32
      %scan3A_182 = arith.constant 16 : i32
      %scan3A_183 = arith.addi %scan3A_181, %scan3A_182 : i32
      %scan3A_184 = arith.constant 1 : i32
      scf.for %scan3A_530 = %scan3A_181 to %scan3A_183 step %scan3A_184  : i32 {
        %mul3A_531 = arith.constant 16 : i32
        %mul3A_532 = arith.muli %scan3A_530, %mul3A_531 : i32
        %swap3A_533 = arith.index_cast %mul3A_532 : i32 to index
        %swap3A_534 = tpu.vector_load %arg13[%swap3A_533] {strides = array<i32>} : memref<256xi32, #tpu.memory_space<vmem>>, vector<16xi32>,
        tpu.vector_store %arg13[%swap3A_533], %broadcast_in_dim3A_165 {strides = array<i32>} : memref<256xi32, #tpu.memory_space<vmem>>, vector<16xi32>,
      }
      %scan3A_185 = arith.constant 16 : i32
      %scan3A_186 = arith.constant 0 : i32
      %scan3A_187 = arith.constant 0 : i32
      %scan3A_188 = arith.constant 32 : i32
      %scan3A_189 = arith.addi %scan3A_187, %scan3A_188 : i32
      %scan3A_190 = arith.constant 1 : i32
      scf.for %scan3A_530 = %scan3A_187 to %scan3A_189 step %scan3A_190  : i32 {
        %mul3A_531 = arith.constant 16 : i32
        %mul3A_532 = arith.muli %scan3A_530, %mul3A_531 : i32
        %get3A_533 = arith.index_cast %mul3A_532 : i32 to index
        %get3A_534 = tpu.vector_load %arg7[%get3A_533] {strides = array<i32>} : memref<512xi32, #tpu.memory_space<vmem>>, vector<16xi32>,
        %shift_right_logical3A = arith.shrui %get3A_534, %add3A_179 : vector<16xi32>
        %and3A = arith.constant 15 : i32
        %and3A_535 = vector.broadcast %and3A : i32 to vector<16xi32>
        %and3A_536 = arith.andi %shift_right_logical3A, %and3A_535 : vector<16xi32>
        %and3A_537 = arith.andi %get3A_534, %scan3A_174#1 : vector<16xi32>
        %eq3A = arith.cmpi eq, %and3A_537, %scan3A_174#0 : vector<16xi32>
        %mul3A_538 = arith.constant 16 : i32
        %mul3A_539 = vector.broadcast %mul3A_538 : i32 to vector<16xi32>
        %mul3A_540 = arith.muli %and3A_536, %mul3A_539 : vector<16xi32>
        %add3A_541 = arith.addi %mul3A_540, %iota3A : vector<16xi32>
        tpu.vector_store_idx %arg13[%add3A_541], %broadcast_in_dim3A_167 masked %eq3A {add = true} : memref<256xi32, #tpu.memory_space<vmem>>[vector<16xi32>], vector<16xi32>, vector<16xi1>
      }
      %scan3A_191 = arith.constant 32 : i32
      %mul3A_192 = arith.constant 16 : i32
      %mul3A_193 = vector.broadcast %mul3A_192 : i32 to vector<16xi32>
      %mul3A_194 = arith.muli %iota3A, %mul3A_193 : vector<16xi32>
      %add3A_195 = arith.constant 0 : i32
      %add3A_196 = vector.broadcast %add3A_195 : i32 to vector<16xi32>
      %add3A_197 = arith.addi %mul3A_194, %add3A_196 : vector<16xi32>
      %gather3A_198 = tpu.vector_load_idx %arg13[%add3A_197] : memref<256xi32, #tpu.memory_space<vmem>>[vector<16xi32>], vector<16xi32>,
      %add3A_199 = arith.addi %broadcast_in_dim3A_165, %gather3A_198 : vector<16xi32>
      %mul3A_200 = arith.constant 16 : i32
      %mul3A_201 = vector.broadcast %mul3A_200 : i32 to vector<16xi32>
      %mul3A_202 = arith.muli %iota3A, %mul3A_201 : vector<16xi32>
      %add3A_203 = arith.constant 1 : i32
      %add3A_204 = vector.broadcast %add3A_203 : i32 to vector<16xi32>
      %add3A_205 = arith.addi %mul3A_202, %add3A_204 : vector<16xi32>
      %gather3A_206 = tpu.vector_load_idx %arg13[%add3A_205] : memref<256xi32, #tpu.memory_space<vmem>>[vector<16xi32>], vector<16xi32>,
      %add3A_207 = arith.addi %add3A_199, %gather3A_206 : vector<16xi32>
      %mul3A_208 = arith.constant 16 : i32
      %mul3A_209 = vector.broadcast %mul3A_208 : i32 to vector<16xi32>
      %mul3A_210 = arith.muli %iota3A, %mul3A_209 : vector<16xi32>
      %add3A_211 = arith.constant 2 : i32
      %add3A_212 = vector.broadcast %add3A_211 : i32 to vector<16xi32>
      %add3A_213 = arith.addi %mul3A_210, %add3A_212 : vector<16xi32>
      %gather3A_214 = tpu.vector_load_idx %arg13[%add3A_213] : memref<256xi32, #tpu.memory_space<vmem>>[vector<16xi32>], vector<16xi32>,
      %add3A_215 = arith.addi %add3A_207, %gather3A_214 : vector<16xi32>
      %mul3A_216 = arith.constant 16 : i32
      %mul3A_217 = vector.broadcast %mul3A_216 : i32 to vector<16xi32>
      %mul3A_218 = arith.muli %iota3A, %mul3A_217 : vector<16xi32>
      %add3A_219 = arith.constant 3 : i32
      %add3A_220 = vector.broadcast %add3A_219 : i32 to vector<16xi32>
      %add3A_221 = arith.addi %mul3A_218, %add3A_220 : vector<16xi32>
      %gather3A_222 = tpu.vector_load_idx %arg13[%add3A_221] : memref<256xi32, #tpu.memory_space<vmem>>[vector<16xi32>], vector<16xi32>,
      %add3A_223 = arith.addi %add3A_215, %gather3A_222 : vector<16xi32>
      %mul3A_224 = arith.constant 16 : i32
      %mul3A_225 = vector.broadcast %mul3A_224 : i32 to vector<16xi32>
      %mul3A_226 = arith.muli %iota3A, %mul3A_225 : vector<16xi32>
      %add3A_227 = arith.constant 4 : i32
      %add3A_228 = vector.broadcast %add3A_227 : i32 to vector<16xi32>
      %add3A_229 = arith.addi %mul3A_226, %add3A_228 : vector<16xi32>
      %gather3A_230 = tpu.vector_load_idx %arg13[%add3A_229] : memref<256xi32, #tpu.memory_space<vmem>>[vector<16xi32>], vector<16xi32>,
      %add3A_231 = arith.addi %add3A_223, %gather3A_230 : vector<16xi32>
      %mul3A_232 = arith.constant 16 : i32
      %mul3A_233 = vector.broadcast %mul3A_232 : i32 to vector<16xi32>
      %mul3A_234 = arith.muli %iota3A, %mul3A_233 : vector<16xi32>
      %add3A_235 = arith.constant 5 : i32
      %add3A_236 = vector.broadcast %add3A_235 : i32 to vector<16xi32>
      %add3A_237 = arith.addi %mul3A_234, %add3A_236 : vector<16xi32>
      %gather3A_238 = tpu.vector_load_idx %arg13[%add3A_237] : memref<256xi32, #tpu.memory_space<vmem>>[vector<16xi32>], vector<16xi32>,
      %add3A_239 = arith.addi %add3A_231, %gather3A_238 : vector<16xi32>
      %mul3A_240 = arith.constant 16 : i32
      %mul3A_241 = vector.broadcast %mul3A_240 : i32 to vector<16xi32>
      %mul3A_242 = arith.muli %iota3A, %mul3A_241 : vector<16xi32>
      %add3A_243 = arith.constant 6 : i32
      %add3A_244 = vector.broadcast %add3A_243 : i32 to vector<16xi32>
      %add3A_245 = arith.addi %mul3A_242, %add3A_244 : vector<16xi32>
      %gather3A_246 = tpu.vector_load_idx %arg13[%add3A_245] : memref<256xi32, #tpu.memory_space<vmem>>[vector<16xi32>], vector<16xi32>,
      %add3A_247 = arith.addi %add3A_239, %gather3A_246 : vector<16xi32>
      %mul3A_248 = arith.constant 16 : i32
      %mul3A_249 = vector.broadcast %mul3A_248 : i32 to vector<16xi32>
      %mul3A_250 = arith.muli %iota3A, %mul3A_249 : vector<16xi32>
      %add3A_251 = arith.constant 7 : i32
      %add3A_252 = vector.broadcast %add3A_251 : i32 to vector<16xi32>
      %add3A_253 = arith.addi %mul3A_250, %add3A_252 : vector<16xi32>
      %gather3A_254 = tpu.vector_load_idx %arg13[%add3A_253] : memref<256xi32, #tpu.memory_space<vmem>>[vector<16xi32>], vector<16xi32>,
      %add3A_255 = arith.addi %add3A_247, %gather3A_254 : vector<16xi32>
      %mul3A_256 = arith.constant 16 : i32
      %mul3A_257 = vector.broadcast %mul3A_256 : i32 to vector<16xi32>
      %mul3A_258 = arith.muli %iota3A, %mul3A_257 : vector<16xi32>
      %add3A_259 = arith.constant 8 : i32
      %add3A_260 = vector.broadcast %add3A_259 : i32 to vector<16xi32>
      %add3A_261 = arith.addi %mul3A_258, %add3A_260 : vector<16xi32>
      %gather3A_262 = tpu.vector_load_idx %arg13[%add3A_261] : memref<256xi32, #tpu.memory_space<vmem>>[vector<16xi32>], vector<16xi32>,
      %add3A_263 = arith.addi %add3A_255, %gather3A_262 : vector<16xi32>
      %mul3A_264 = arith.constant 16 : i32
      %mul3A_265 = vector.broadcast %mul3A_264 : i32 to vector<16xi32>
      %mul3A_266 = arith.muli %iota3A, %mul3A_265 : vector<16xi32>
      %add3A_267 = arith.constant 9 : i32
      %add3A_268 = vector.broadcast %add3A_267 : i32 to vector<16xi32>
      %add3A_269 = arith.addi %mul3A_266, %add3A_268 : vector<16xi32>
      %gather3A_270 = tpu.vector_load_idx %arg13[%add3A_269] : memref<256xi32, #tpu.memory_space<vmem>>[vector<16xi32>], vector<16xi32>,
      %add3A_271 = arith.addi %add3A_263, %gather3A_270 : vector<16xi32>
      %mul3A_272 = arith.constant 16 : i32
      %mul3A_273 = vector.broadcast %mul3A_272 : i32 to vector<16xi32>
      %mul3A_274 = arith.muli %iota3A, %mul3A_273 : vector<16xi32>
      %add3A_275 = arith.constant 10 : i32
      %add3A_276 = vector.broadcast %add3A_275 : i32 to vector<16xi32>
      %add3A_277 = arith.addi %mul3A_274, %add3A_276 : vector<16xi32>
      %gather3A_278 = tpu.vector_load_idx %arg13[%add3A_277] : memref<256xi32, #tpu.memory_space<vmem>>[vector<16xi32>], vector<16xi32>,
      %add3A_279 = arith.addi %add3A_271, %gather3A_278 : vector<16xi32>
      %mul3A_280 = arith.constant 16 : i32
      %mul3A_281 = vector.broadcast %mul3A_280 : i32 to vector<16xi32>
      %mul3A_282 = arith.muli %iota3A, %mul3A_281 : vector<16xi32>
      %add3A_283 = arith.constant 11 : i32
      %add3A_284 = vector.broadcast %add3A_283 : i32 to vector<16xi32>
      %add3A_285 = arith.addi %mul3A_282, %add3A_284 : vector<16xi32>
      %gather3A_286 = tpu.vector_load_idx %arg13[%add3A_285] : memref<256xi32, #tpu.memory_space<vmem>>[vector<16xi32>], vector<16xi32>,
      %add3A_287 = arith.addi %add3A_279, %gather3A_286 : vector<16xi32>
      %mul3A_288 = arith.constant 16 : i32
      %mul3A_289 = vector.broadcast %mul3A_288 : i32 to vector<16xi32>
      %mul3A_290 = arith.muli %iota3A, %mul3A_289 : vector<16xi32>
      %add3A_291 = arith.constant 12 : i32
      %add3A_292 = vector.broadcast %add3A_291 : i32 to vector<16xi32>
      %add3A_293 = arith.addi %mul3A_290, %add3A_292 : vector<16xi32>
      %gather3A_294 = tpu.vector_load_idx %arg13[%add3A_293] : memref<256xi32, #tpu.memory_space<vmem>>[vector<16xi32>], vector<16xi32>,
      %add3A_295 = arith.addi %add3A_287, %gather3A_294 : vector<16xi32>
      %mul3A_296 = arith.constant 16 : i32
      %mul3A_297 = vector.broadcast %mul3A_296 : i32 to vector<16xi32>
      %mul3A_298 = arith.muli %iota3A, %mul3A_297 : vector<16xi32>
      %add3A_299 = arith.constant 13 : i32
      %add3A_300 = vector.broadcast %add3A_299 : i32 to vector<16xi32>
      %add3A_301 = arith.addi %mul3A_298, %add3A_300 : vector<16xi32>
      %gather3A_302 = tpu.vector_load_idx %arg13[%add3A_301] : memref<256xi32, #tpu.memory_space<vmem>>[vector<16xi32>], vector<16xi32>,
      %add3A_303 = arith.addi %add3A_295, %gather3A_302 : vector<16xi32>
      %mul3A_304 = arith.constant 16 : i32
      %mul3A_305 = vector.broadcast %mul3A_304 : i32 to vector<16xi32>
      %mul3A_306 = arith.muli %iota3A, %mul3A_305 : vector<16xi32>
      %add3A_307 = arith.constant 14 : i32
      %add3A_308 = vector.broadcast %add3A_307 : i32 to vector<16xi32>
      %add3A_309 = arith.addi %mul3A_306, %add3A_308 : vector<16xi32>
      %gather3A_310 = tpu.vector_load_idx %arg13[%add3A_309] : memref<256xi32, #tpu.memory_space<vmem>>[vector<16xi32>], vector<16xi32>,
      %add3A_311 = arith.addi %add3A_303, %gather3A_310 : vector<16xi32>
      %mul3A_312 = arith.constant 16 : i32
      %mul3A_313 = vector.broadcast %mul3A_312 : i32 to vector<16xi32>
      %mul3A_314 = arith.muli %iota3A, %mul3A_313 : vector<16xi32>
      %add3A_315 = arith.constant 15 : i32
      %add3A_316 = vector.broadcast %add3A_315 : i32 to vector<16xi32>
      %add3A_317 = arith.addi %mul3A_314, %add3A_316 : vector<16xi32>
      %gather3A_318 = tpu.vector_load_idx %arg13[%add3A_317] : memref<256xi32, #tpu.memory_space<vmem>>[vector<16xi32>], vector<16xi32>,
      %add3A_319 = arith.addi %add3A_311, %gather3A_318 : vector<16xi32>
      %swap3A_320 = arith.constant 0 : index
      %swap3A_321 = tpu.vector_load %arg10[%swap3A_320] {strides = array<i32>} : memref<16xi32, #tpu.memory_space<vmem>>, vector<16xi32>,
      tpu.vector_store %arg10[%swap3A_320], %add3A_319 {strides = array<i32>} : memref<16xi32, #tpu.memory_space<vmem>>, vector<16xi32>,
      %mul3A_322 = arith.constant 16 : i32
      %mul3A_323 = arith.muli %arg1, %mul3A_322 : i32
      %add3A_324 = arith.constant 256 : i32
      %add3A_325 = arith.addi %add3A_324, %mul3A_323 : i32
      "tpu.region"() ({
        %run_scoped3A = tpu.sem_alloc : memref<!tpu.dma_semaphore, #tpu.memory_space<semaphore_mem>>
        %dma_start3A = tpu.memref_slice %arg15[%add3A_325] : memref<512xi32, #tpu.memory_space<vmem_shared>> -> memref<16xi32, #tpu.memory_space<vmem_shared>>
        %dma_start3A_530 = tpu.memref_slice %arg15[%add3A_325] : memref<512xi32, #tpu.memory_space<vmem_shared>> -> memref<16xi32, #tpu.memory_space<vmem_shared>>
        tpu.enqueue_dma source(%arg10 : memref<16xi32, #tpu.memory_space<vmem>>) target(%dma_start3A_530 : memref<16xi32, #tpu.memory_space<vmem_shared>>) target_semaphore(%run_scoped3A : memref<!tpu.dma_semaphore, #tpu.memory_space<semaphore_mem>>)
        %dma_wait3A = tpu.memref_slice %arg15[%add3A_325] : memref<512xi32, #tpu.memory_space<vmem_shared>> -> memref<16xi32, #tpu.memory_space<vmem_shared>>
        %dma_wait3A_531 = tpu.memref_slice %arg15[%add3A_325] : memref<512xi32, #tpu.memory_space<vmem_shared>> -> memref<16xi32, #tpu.memory_space<vmem_shared>>
        tpu.wait_dma2 semaphore(%run_scoped3A : memref<!tpu.dma_semaphore, #tpu.memory_space<semaphore_mem>>) src(%arg10 : memref<16xi32, #tpu.memory_space<vmem>>) dst(%dma_wait3A_531 : memref<16xi32, #tpu.memory_space<vmem_shared>>)
        tpu.yield
      }) : () -> ()
      %barrier3A_326 = arith.constant 0 : index
      tpu.barrier barrier_id(%barrier3A_326)
      "tpu.region"() ({
        %run_scoped3A = tpu.sem_alloc : memref<!tpu.dma_semaphore, #tpu.memory_space<semaphore_mem>>
        %dma_start3A = arith.constant 256 : i32
        %dma_start3A_530 = tpu.memref_slice %arg15[%dma_start3A] : memref<512xi32, #tpu.memory_space<vmem_shared>> -> memref<256xi32, #tpu.memory_space<vmem_shared>>
        %dma_start3A_531 = arith.constant 256 : i32
        %dma_start3A_532 = tpu.memref_slice %arg15[%dma_start3A_531] : memref<512xi32, #tpu.memory_space<vmem_shared>> -> memref<256xi32, #tpu.memory_space<vmem_shared>>
        tpu.enqueue_dma source(%dma_start3A_532 : memref<256xi32, #tpu.memory_space<vmem_shared>>) target(%arg12 : memref<256xi32, #tpu.memory_space<vmem>>) target_semaphore(%run_scoped3A : memref<!tpu.dma_semaphore, #tpu.memory_space<semaphore_mem>>)
        %dma_wait3A = arith.constant 256 : i32
        %dma_wait3A_533 = tpu.memref_slice %arg15[%dma_wait3A] : memref<512xi32, #tpu.memory_space<vmem_shared>> -> memref<256xi32, #tpu.memory_space<vmem_shared>>
        %dma_wait3A_534 = arith.constant 256 : i32
        %dma_wait3A_535 = tpu.memref_slice %arg15[%dma_wait3A_534] : memref<512xi32, #tpu.memory_space<vmem_shared>> -> memref<256xi32, #tpu.memory_space<vmem_shared>>
        tpu.wait_dma2 semaphore(%run_scoped3A : memref<!tpu.dma_semaphore, #tpu.memory_space<semaphore_mem>>) src(%dma_wait3A_535 : memref<256xi32, #tpu.memory_space<vmem_shared>>) dst(%arg12 : memref<256xi32, #tpu.memory_space<vmem>>)
        tpu.yield
      }) : () -> ()
      %get3A_327 = arith.constant 0 : index
      %get3A_328 = tpu.vector_load %arg12[%get3A_327] {strides = array<i32>} : memref<256xi32, #tpu.memory_space<vmem>>, vector<16xi32>,
      %add3A_329 = arith.addi %broadcast_in_dim3A_165, %get3A_328 : vector<16xi32>
      %get3A_330 = arith.constant 16 : index
      %get3A_331 = tpu.vector_load %arg12[%get3A_330] {strides = array<i32>} : memref<256xi32, #tpu.memory_space<vmem>>, vector<16xi32>,
      %add3A_332 = arith.addi %add3A_329, %get3A_331 : vector<16xi32>
      %get3A_333 = arith.constant 32 : index
      %get3A_334 = tpu.vector_load %arg12[%get3A_333] {strides = array<i32>} : memref<256xi32, #tpu.memory_space<vmem>>, vector<16xi32>,
      %add3A_335 = arith.addi %add3A_332, %get3A_334 : vector<16xi32>
      %get3A_336 = arith.constant 48 : index
      %get3A_337 = tpu.vector_load %arg12[%get3A_336] {strides = array<i32>} : memref<256xi32, #tpu.memory_space<vmem>>, vector<16xi32>,
      %add3A_338 = arith.addi %add3A_335, %get3A_337 : vector<16xi32>
      %get3A_339 = arith.constant 64 : index
      %get3A_340 = tpu.vector_load %arg12[%get3A_339] {strides = array<i32>} : memref<256xi32, #tpu.memory_space<vmem>>, vector<16xi32>,
      %add3A_341 = arith.addi %add3A_338, %get3A_340 : vector<16xi32>
      %get3A_342 = arith.constant 80 : index
      %get3A_343 = tpu.vector_load %arg12[%get3A_342] {strides = array<i32>} : memref<256xi32, #tpu.memory_space<vmem>>, vector<16xi32>,
      %add3A_344 = arith.addi %add3A_341, %get3A_343 : vector<16xi32>
      %get3A_345 = arith.constant 96 : index
      %get3A_346 = tpu.vector_load %arg12[%get3A_345] {strides = array<i32>} : memref<256xi32, #tpu.memory_space<vmem>>, vector<16xi32>,
      %add3A_347 = arith.addi %add3A_344, %get3A_346 : vector<16xi32>
      %get3A_348 = arith.constant 112 : index
      %get3A_349 = tpu.vector_load %arg12[%get3A_348] {strides = array<i32>} : memref<256xi32, #tpu.memory_space<vmem>>, vector<16xi32>,
      %add3A_350 = arith.addi %add3A_347, %get3A_349 : vector<16xi32>
      %get3A_351 = arith.constant 128 : index
      %get3A_352 = tpu.vector_load %arg12[%get3A_351] {strides = array<i32>} : memref<256xi32, #tpu.memory_space<vmem>>, vector<16xi32>,
      %add3A_353 = arith.addi %add3A_350, %get3A_352 : vector<16xi32>
      %get3A_354 = arith.constant 144 : index
      %get3A_355 = tpu.vector_load %arg12[%get3A_354] {strides = array<i32>} : memref<256xi32, #tpu.memory_space<vmem>>, vector<16xi32>,
      %add3A_356 = arith.addi %add3A_353, %get3A_355 : vector<16xi32>
      %get3A_357 = arith.constant 160 : index
      %get3A_358 = tpu.vector_load %arg12[%get3A_357] {strides = array<i32>} : memref<256xi32, #tpu.memory_space<vmem>>, vector<16xi32>,
      %add3A_359 = arith.addi %add3A_356, %get3A_358 : vector<16xi32>
      %get3A_360 = arith.constant 176 : index
      %get3A_361 = tpu.vector_load %arg12[%get3A_360] {strides = array<i32>} : memref<256xi32, #tpu.memory_space<vmem>>, vector<16xi32>,
      %add3A_362 = arith.addi %add3A_359, %get3A_361 : vector<16xi32>
      %get3A_363 = arith.constant 192 : index
      %get3A_364 = tpu.vector_load %arg12[%get3A_363] {strides = array<i32>} : memref<256xi32, #tpu.memory_space<vmem>>, vector<16xi32>,
      %add3A_365 = arith.addi %add3A_362, %get3A_364 : vector<16xi32>
      %get3A_366 = arith.constant 208 : index
      %get3A_367 = tpu.vector_load %arg12[%get3A_366] {strides = array<i32>} : memref<256xi32, #tpu.memory_space<vmem>>, vector<16xi32>,
      %add3A_368 = arith.addi %add3A_365, %get3A_367 : vector<16xi32>
      %get3A_369 = arith.constant 224 : index
      %get3A_370 = tpu.vector_load %arg12[%get3A_369] {strides = array<i32>} : memref<256xi32, #tpu.memory_space<vmem>>, vector<16xi32>,
      %add3A_371 = arith.addi %add3A_368, %get3A_370 : vector<16xi32>
      %get3A_372 = arith.constant 240 : index
      %get3A_373 = tpu.vector_load %arg12[%get3A_372] {strides = array<i32>} : memref<256xi32, #tpu.memory_space<vmem>>, vector<16xi32>,
      %add3A_374 = arith.addi %add3A_371, %get3A_373 : vector<16xi32>
      %swap3A_375 = arith.constant 0 : index
      %swap3A_376 = tpu.vector_load %arg10[%swap3A_375] {strides = array<i32>} : memref<16xi32, #tpu.memory_space<vmem>>, vector<16xi32>,
      tpu.vector_store %arg10[%swap3A_375], %add3A_374 {strides = array<i32>} : memref<16xi32, #tpu.memory_space<vmem>>, vector<16xi32>,
      %sub3A_377 = arith.constant 1 : i32
      %sub3A_378 = vector.broadcast %sub3A_377 : i32 to vector<16xi32>
      %sub3A_379 = arith.subi %iota3A, %sub3A_378 : vector<16xi32>
      %max3A_380 = arith.constant 0 : i32
      %max3A_381 = vector.broadcast %max3A_380 : i32 to vector<16xi32>
      %max3A_382 = arith.maxsi %sub3A_379, %max3A_381 : vector<16xi32>
      %gather3A_383 = tpu.vector_load_idx %arg10[%max3A_382] : memref<16xi32, #tpu.memory_space<vmem>>[vector<16xi32>], vector<16xi32>,
      %ge3A = arith.constant 1 : i32
      %ge3A_384 = vector.broadcast %ge3A : i32 to vector<16xi32>
      %ge3A_385 = arith.cmpi sge, %iota3A, %ge3A_384 : vector<16xi32>
      %jit3A = arith.constant 0 : i32
      %broadcast_in_dim3A_386 = vector.broadcast %jit3A : i32 to vector<16xi32>
      %select_n3A = arith.select %ge3A_385, %gather3A_383, %broadcast_in_dim3A_386 : vector<16xi1>, vector<16xi32>
      %add3A_387 = arith.addi %add3A_374, %select_n3A : vector<16xi32>
      %swap3A_388 = arith.constant 0 : index
      %swap3A_389 = tpu.vector_load %arg10[%swap3A_388] {strides = array<i32>} : memref<16xi32, #tpu.memory_space<vmem>>, vector<16xi32>,
      tpu.vector_store %arg10[%swap3A_388], %add3A_387 {strides = array<i32>} : memref<16xi32, #tpu.memory_space<vmem>>, vector<16xi32>,
      %sub3A_390 = arith.constant 2 : i32
      %sub3A_391 = vector.broadcast %sub3A_390 : i32 to vector<16xi32>
      %sub3A_392 = arith.subi %iota3A, %sub3A_391 : vector<16xi32>
      %max3A_393 = arith.constant 0 : i32
      %max3A_394 = vector.broadcast %max3A_393 : i32 to vector<16xi32>
      %max3A_395 = arith.maxsi %sub3A_392, %max3A_394 : vector<16xi32>
      %gather3A_396 = tpu.vector_load_idx %arg10[%max3A_395] : memref<16xi32, #tpu.memory_space<vmem>>[vector<16xi32>], vector<16xi32>,
      %ge3A_397 = arith.constant 2 : i32
      %ge3A_398 = vector.broadcast %ge3A_397 : i32 to vector<16xi32>
      %ge3A_399 = arith.cmpi sge, %iota3A, %ge3A_398 : vector<16xi32>
      %jit3A_400 = arith.constant 0 : i32
      %broadcast_in_dim3A_401 = vector.broadcast %jit3A_400 : i32 to vector<16xi32>
      %select_n3A_402 = arith.select %ge3A_399, %gather3A_396, %broadcast_in_dim3A_401 : vector<16xi1>, vector<16xi32>
      %add3A_403 = arith.addi %add3A_387, %select_n3A_402 : vector<16xi32>
      %swap3A_404 = arith.constant 0 : index
      %swap3A_405 = tpu.vector_load %arg10[%swap3A_404] {strides = array<i32>} : memref<16xi32, #tpu.memory_space<vmem>>, vector<16xi32>,
      tpu.vector_store %arg10[%swap3A_404], %add3A_403 {strides = array<i32>} : memref<16xi32, #tpu.memory_space<vmem>>, vector<16xi32>,
      %sub3A_406 = arith.constant 4 : i32
      %sub3A_407 = vector.broadcast %sub3A_406 : i32 to vector<16xi32>
      %sub3A_408 = arith.subi %iota3A, %sub3A_407 : vector<16xi32>
      %max3A_409 = arith.constant 0 : i32
      %max3A_410 = vector.broadcast %max3A_409 : i32 to vector<16xi32>
      %max3A_411 = arith.maxsi %sub3A_408, %max3A_410 : vector<16xi32>
      %gather3A_412 = tpu.vector_load_idx %arg10[%max3A_411] : memref<16xi32, #tpu.memory_space<vmem>>[vector<16xi32>], vector<16xi32>,
      %ge3A_413 = arith.constant 4 : i32
      %ge3A_414 = vector.broadcast %ge3A_413 : i32 to vector<16xi32>
      %ge3A_415 = arith.cmpi sge, %iota3A, %ge3A_414 : vector<16xi32>
      %jit3A_416 = arith.constant 0 : i32
      %broadcast_in_dim3A_417 = vector.broadcast %jit3A_416 : i32 to vector<16xi32>
      %select_n3A_418 = arith.select %ge3A_415, %gather3A_412, %broadcast_in_dim3A_417 : vector<16xi1>, vector<16xi32>
      %add3A_419 = arith.addi %add3A_403, %select_n3A_418 : vector<16xi32>
      %swap3A_420 = arith.constant 0 : index
      %swap3A_421 = tpu.vector_load %arg10[%swap3A_420] {strides = array<i32>} : memref<16xi32, #tpu.memory_space<vmem>>, vector<16xi32>,
      tpu.vector_store %arg10[%swap3A_420], %add3A_419 {strides = array<i32>} : memref<16xi32, #tpu.memory_space<vmem>>, vector<16xi32>,
      %sub3A_422 = arith.constant 8 : i32
      %sub3A_423 = vector.broadcast %sub3A_422 : i32 to vector<16xi32>
      %sub3A_424 = arith.subi %iota3A, %sub3A_423 : vector<16xi32>
      %max3A_425 = arith.constant 0 : i32
      %max3A_426 = vector.broadcast %max3A_425 : i32 to vector<16xi32>
      %max3A_427 = arith.maxsi %sub3A_424, %max3A_426 : vector<16xi32>
      %gather3A_428 = tpu.vector_load_idx %arg10[%max3A_427] : memref<16xi32, #tpu.memory_space<vmem>>[vector<16xi32>], vector<16xi32>,
      %ge3A_429 = arith.constant 8 : i32
      %ge3A_430 = vector.broadcast %ge3A_429 : i32 to vector<16xi32>
      %ge3A_431 = arith.cmpi sge, %iota3A, %ge3A_430 : vector<16xi32>
      %jit3A_432 = arith.constant 0 : i32
      %broadcast_in_dim3A_433 = vector.broadcast %jit3A_432 : i32 to vector<16xi32>
      %select_n3A_434 = arith.select %ge3A_431, %gather3A_428, %broadcast_in_dim3A_433 : vector<16xi1>, vector<16xi32>
      %add3A_435 = arith.addi %add3A_419, %select_n3A_434 : vector<16xi32>
      %lt3A = arith.cmpi slt, %add3A_435, %scan3A_174#2 : vector<16xi32>
      %all_reduce_population_count3A = tpu.all_reduce %lt3A {dim = 0 : i64, kind = #tpu.reduction_kind<sum>} : vector<16xi1> -> vector<16xi32>
      %sub3A_436 = arith.subi %add3A_435, %add3A_374 : vector<16xi32>
      %swap3A_437 = arith.constant 0 : index
      %swap3A_438 = tpu.vector_load %arg10[%swap3A_437] {strides = array<i32>} : memref<16xi32, #tpu.memory_space<vmem>>, vector<16xi32>,
      tpu.vector_store %arg10[%swap3A_437], %sub3A_436 {strides = array<i32>} : memref<16xi32, #tpu.memory_space<vmem>>, vector<16xi32>,
      %gather3A_439 = tpu.vector_load_idx %arg10[%all_reduce_population_count3A] : memref<16xi32, #tpu.memory_space<vmem>>[vector<16xi32>], vector<16xi32>,
      %shift_left3A = arith.shli %all_reduce_population_count3A, %add3A_179 : vector<16xi32>
      %or3A = arith.ori %scan3A_174#0, %shift_left3A : vector<16xi32>
      %add3A_440 = arith.constant 15 : i32
      %add3A_441 = vector.broadcast %add3A_440 : i32 to vector<16xi32>
      %add3A_442 = arith.addi %broadcast_in_dim3A_165, %add3A_441 : vector<16xi32>
      %shift_left3A_443 = arith.shli %add3A_442, %add3A_179 : vector<16xi32>
      %or3A_444 = arith.ori %scan3A_174#1, %shift_left3A_443 : vector<16xi32>
      %mul3A_445 = arith.constant 16 : i32
      %mul3A_446 = vector.broadcast %mul3A_445 : i32 to vector<16xi32>
      %mul3A_447 = arith.muli %iota3A, %mul3A_446 : vector<16xi32>
      %add3A_448 = arith.addi %mul3A_447, %all_reduce_population_count3A : vector<16xi32>
      %gather3A_449 = tpu.vector_load_idx %arg12[%add3A_448] : memref<256xi32, #tpu.memory_space<vmem>>[vector<16xi32>], vector<16xi32>,
      %swap3A_450 = arith.constant 0 : index
      %swap3A_451 = tpu.vector_load %arg10[%swap3A_450] {strides = array<i32>} : memref<16xi32, #tpu.memory_space<vmem>>, vector<16xi32>,
      tpu.vector_store %arg10[%swap3A_450], %gather3A_449 {strides = array<i32>} : memref<16xi32, #tpu.memory_space<vmem>>, vector<16xi32>,
      %sub3A_452 = arith.constant 1 : i32
      %sub3A_453 = vector.broadcast %sub3A_452 : i32 to vector<16xi32>
      %sub3A_454 = arith.subi %iota3A, %sub3A_453 : vector<16xi32>
      %max3A_455 = arith.constant 0 : i32
      %max3A_456 = vector.broadcast %max3A_455 : i32 to vector<16xi32>
      %max3A_457 = arith.maxsi %sub3A_454, %max3A_456 : vector<16xi32>
      %gather3A_458 = tpu.vector_load_idx %arg10[%max3A_457] : memref<16xi32, #tpu.memory_space<vmem>>[vector<16xi32>], vector<16xi32>,
      %ge3A_459 = arith.constant 1 : i32
      %ge3A_460 = vector.broadcast %ge3A_459 : i32 to vector<16xi32>
      %ge3A_461 = arith.cmpi sge, %iota3A, %ge3A_460 : vector<16xi32>
      %jit3A_462 = arith.constant 0 : i32
      %broadcast_in_dim3A_463 = vector.broadcast %jit3A_462 : i32 to vector<16xi32>
      %select_n3A_464 = arith.select %ge3A_461, %gather3A_458, %broadcast_in_dim3A_463 : vector<16xi1>, vector<16xi32>
      %add3A_465 = arith.addi %gather3A_449, %select_n3A_464 : vector<16xi32>
      %swap3A_466 = arith.constant 0 : index
      %swap3A_467 = tpu.vector_load %arg10[%swap3A_466] {strides = array<i32>} : memref<16xi32, #tpu.memory_space<vmem>>, vector<16xi32>,
      tpu.vector_store %arg10[%swap3A_466], %add3A_465 {strides = array<i32>} : memref<16xi32, #tpu.memory_space<vmem>>, vector<16xi32>,
      %sub3A_468 = arith.constant 2 : i32
      %sub3A_469 = vector.broadcast %sub3A_468 : i32 to vector<16xi32>
      %sub3A_470 = arith.subi %iota3A, %sub3A_469 : vector<16xi32>
      %max3A_471 = arith.constant 0 : i32
      %max3A_472 = vector.broadcast %max3A_471 : i32 to vector<16xi32>
      %max3A_473 = arith.maxsi %sub3A_470, %max3A_472 : vector<16xi32>
      %gather3A_474 = tpu.vector_load_idx %arg10[%max3A_473] : memref<16xi32, #tpu.memory_space<vmem>>[vector<16xi32>], vector<16xi32>,
      %ge3A_475 = arith.constant 2 : i32
      %ge3A_476 = vector.broadcast %ge3A_475 : i32 to vector<16xi32>
      %ge3A_477 = arith.cmpi sge, %iota3A, %ge3A_476 : vector<16xi32>
      %jit3A_478 = arith.constant 0 : i32
      %broadcast_in_dim3A_479 = vector.broadcast %jit3A_478 : i32 to vector<16xi32>
      %select_n3A_480 = arith.select %ge3A_477, %gather3A_474, %broadcast_in_dim3A_479 : vector<16xi1>, vector<16xi32>
      %add3A_481 = arith.addi %add3A_465, %select_n3A_480 : vector<16xi32>
      %swap3A_482 = arith.constant 0 : index
      %swap3A_483 = tpu.vector_load %arg10[%swap3A_482] {strides = array<i32>} : memref<16xi32, #tpu.memory_space<vmem>>, vector<16xi32>,
      tpu.vector_store %arg10[%swap3A_482], %add3A_481 {strides = array<i32>} : memref<16xi32, #tpu.memory_space<vmem>>, vector<16xi32>,
      %sub3A_484 = arith.constant 4 : i32
      %sub3A_485 = vector.broadcast %sub3A_484 : i32 to vector<16xi32>
      %sub3A_486 = arith.subi %iota3A, %sub3A_485 : vector<16xi32>
      %max3A_487 = arith.constant 0 : i32
      %max3A_488 = vector.broadcast %max3A_487 : i32 to vector<16xi32>
      %max3A_489 = arith.maxsi %sub3A_486, %max3A_488 : vector<16xi32>
      %gather3A_490 = tpu.vector_load_idx %arg10[%max3A_489] : memref<16xi32, #tpu.memory_space<vmem>>[vector<16xi32>], vector<16xi32>,
      %ge3A_491 = arith.constant 4 : i32
      %ge3A_492 = vector.broadcast %ge3A_491 : i32 to vector<16xi32>
      %ge3A_493 = arith.cmpi sge, %iota3A, %ge3A_492 : vector<16xi32>
      %jit3A_494 = arith.constant 0 : i32
      %broadcast_in_dim3A_495 = vector.broadcast %jit3A_494 : i32 to vector<16xi32>
      %select_n3A_496 = arith.select %ge3A_493, %gather3A_490, %broadcast_in_dim3A_495 : vector<16xi1>, vector<16xi32>
      %add3A_497 = arith.addi %add3A_481, %select_n3A_496 : vector<16xi32>
      %swap3A_498 = arith.constant 0 : index
      %swap3A_499 = tpu.vector_load %arg10[%swap3A_498] {strides = array<i32>} : memref<16xi32, #tpu.memory_space<vmem>>, vector<16xi32>,
      tpu.vector_store %arg10[%swap3A_498], %add3A_497 {strides = array<i32>} : memref<16xi32, #tpu.memory_space<vmem>>, vector<16xi32>,
      %sub3A_500 = arith.constant 8 : i32
      %sub3A_501 = vector.broadcast %sub3A_500 : i32 to vector<16xi32>
      %sub3A_502 = arith.subi %iota3A, %sub3A_501 : vector<16xi32>
      %max3A_503 = arith.constant 0 : i32
      %max3A_504 = vector.broadcast %max3A_503 : i32 to vector<16xi32>
      %max3A_505 = arith.maxsi %sub3A_502, %max3A_504 : vector<16xi32>
      %gather3A_506 = tpu.vector_load_idx %arg10[%max3A_505] : memref<16xi32, #tpu.memory_space<vmem>>[vector<16xi32>], vector<16xi32>,
      %ge3A_507 = arith.constant 8 : i32
      %ge3A_508 = vector.broadcast %ge3A_507 : i32 to vector<16xi32>
      %ge3A_509 = arith.cmpi sge, %iota3A, %ge3A_508 : vector<16xi32>
      %jit3A_510 = arith.constant 0 : i32
      %broadcast_in_dim3A_511 = vector.broadcast %jit3A_510 : i32 to vector<16xi32>
      %select_n3A_512 = arith.select %ge3A_509, %gather3A_506, %broadcast_in_dim3A_511 : vector<16xi1>, vector<16xi32>
      %add3A_513 = arith.addi %add3A_497, %select_n3A_512 : vector<16xi32>
      %sub3A_514 = arith.subi %add3A_513, %gather3A_449 : vector<16xi32>
      %swap3A_515 = arith.constant 0 : index
      %swap3A_516 = tpu.vector_load %arg10[%swap3A_515] {strides = array<i32>} : memref<16xi32, #tpu.memory_space<vmem>>, vector<16xi32>,
      tpu.vector_store %arg10[%swap3A_515], %sub3A_514 {strides = array<i32>} : memref<16xi32, #tpu.memory_space<vmem>>, vector<16xi32>,
      %add3A_517 = vector.broadcast %arg1 : i32 to vector<16xi32>
      %add3A_518 = arith.addi %broadcast_in_dim3A_165, %add3A_517 : vector<16xi32>
      %gather3A_519 = tpu.vector_load_idx %arg10[%add3A_518] : memref<16xi32, #tpu.memory_space<vmem>>[vector<16xi32>], vector<16xi32>,
      %sub3A_520 = arith.subi %scan3A_174#2, %gather3A_439 : vector<16xi32>
      %sub3A_521 = arith.subi %sub3A_520, %gather3A_519 : vector<16xi32>
      %xor3A_522 = vector.broadcast %squeeze3A : i32 to vector<16xi32>
      %xor3A_523 = arith.xori %or3A, %xor3A_522 : vector<16xi32>
      %scan3A_524 = arith.constant 0 : i32
      %scan3A_525 = arith.constant 32 : i32
      %scan3A_526 = arith.addi %scan3A_524, %scan3A_525 : i32
      %scan3A_527 = arith.constant 1 : i32
      %scan3A_528 = scf.for %scan3A_530 = %scan3A_524 to %scan3A_526 step %scan3A_527 iter_args(%scan3A_531 = %broadcast_in_dim3A_165) -> (vector<16xi32>)  : i32 {
        %mul3A_532 = arith.constant 16 : i32
        %mul3A_533 = arith.muli %scan3A_530, %mul3A_532 : i32
        %get3A_534 = arith.index_cast %mul3A_533 : i32 to index
        %get3A_535 = tpu.vector_load %arg7[%get3A_534] {strides = array<i32>} : memref<512xi32, #tpu.memory_space<vmem>>, vector<16xi32>,
        %eq3A = arith.cmpi eq, %get3A_535, %or3A : vector<16xi32>
        %jit3A_536 = arith.constant 1 : i32
        %jit3A_537 = arith.constant 0 : i32
        %broadcast_in_dim3A_538 = vector.broadcast %jit3A_536 : i32 to vector<16xi32>
        %broadcast_in_dim3A_539 = vector.broadcast %jit3A_537 : i32 to vector<16xi32>
        %select_n3A_540 = arith.select %eq3A, %broadcast_in_dim3A_538, %broadcast_in_dim3A_539 : vector<16xi1>, vector<16xi32>
        %swap3A_541 = arith.constant 0 : index
        %swap3A_542 = tpu.vector_load %arg10[%swap3A_541] {strides = array<i32>} : memref<16xi32, #tpu.memory_space<vmem>>, vector<16xi32>,
        tpu.vector_store %arg10[%swap3A_541], %select_n3A_540 {strides = array<i32>} : memref<16xi32, #tpu.memory_space<vmem>>, vector<16xi32>,
        %sub3A_543 = arith.constant 1 : i32
        %sub3A_544 = vector.broadcast %sub3A_543 : i32 to vector<16xi32>
        %sub3A_545 = arith.subi %iota3A, %sub3A_544 : vector<16xi32>
        %max3A_546 = arith.constant 0 : i32
        %max3A_547 = vector.broadcast %max3A_546 : i32 to vector<16xi32>
        %max3A_548 = arith.maxsi %sub3A_545, %max3A_547 : vector<16xi32>
        %gather3A_549 = tpu.vector_load_idx %arg10[%max3A_548] : memref<16xi32, #tpu.memory_space<vmem>>[vector<16xi32>], vector<16xi32>,
        %ge3A_550 = arith.constant 1 : i32
        %ge3A_551 = vector.broadcast %ge3A_550 : i32 to vector<16xi32>
        %ge3A_552 = arith.cmpi sge, %iota3A, %ge3A_551 : vector<16xi32>
        %jit3A_553 = arith.constant 0 : i32
        %broadcast_in_dim3A_554 = vector.broadcast %jit3A_553 : i32 to vector<16xi32>
        %select_n3A_555 = arith.select %ge3A_552, %gather3A_549, %broadcast_in_dim3A_554 : vector<16xi1>, vector<16xi32>
        %add3A_556 = arith.addi %select_n3A_540, %select_n3A_555 : vector<16xi32>
        %swap3A_557 = arith.constant 0 : index
        %swap3A_558 = tpu.vector_load %arg10[%swap3A_557] {strides = array<i32>} : memref<16xi32, #tpu.memory_space<vmem>>, vector<16xi32>,
        tpu.vector_store %arg10[%swap3A_557], %add3A_556 {strides = array<i32>} : memref<16xi32, #tpu.memory_space<vmem>>, vector<16xi32>,
        %sub3A_559 = arith.constant 2 : i32
        %sub3A_560 = vector.broadcast %sub3A_559 : i32 to vector<16xi32>
        %sub3A_561 = arith.subi %iota3A, %sub3A_560 : vector<16xi32>
        %max3A_562 = arith.constant 0 : i32
        %max3A_563 = vector.broadcast %max3A_562 : i32 to vector<16xi32>
        %max3A_564 = arith.maxsi %sub3A_561, %max3A_563 : vector<16xi32>
        %gather3A_565 = tpu.vector_load_idx %arg10[%max3A_564] : memref<16xi32, #tpu.memory_space<vmem>>[vector<16xi32>], vector<16xi32>,
        %ge3A_566 = arith.constant 2 : i32
        %ge3A_567 = vector.broadcast %ge3A_566 : i32 to vector<16xi32>
        %ge3A_568 = arith.cmpi sge, %iota3A, %ge3A_567 : vector<16xi32>
        %jit3A_569 = arith.constant 0 : i32
        %broadcast_in_dim3A_570 = vector.broadcast %jit3A_569 : i32 to vector<16xi32>
        %select_n3A_571 = arith.select %ge3A_568, %gather3A_565, %broadcast_in_dim3A_570 : vector<16xi1>, vector<16xi32>
        %add3A_572 = arith.addi %add3A_556, %select_n3A_571 : vector<16xi32>
        %swap3A_573 = arith.constant 0 : index
        %swap3A_574 = tpu.vector_load %arg10[%swap3A_573] {strides = array<i32>} : memref<16xi32, #tpu.memory_space<vmem>>, vector<16xi32>,
        tpu.vector_store %arg10[%swap3A_573], %add3A_572 {strides = array<i32>} : memref<16xi32, #tpu.memory_space<vmem>>, vector<16xi32>,
        %sub3A_575 = arith.constant 4 : i32
        %sub3A_576 = vector.broadcast %sub3A_575 : i32 to vector<16xi32>
        %sub3A_577 = arith.subi %iota3A, %sub3A_576 : vector<16xi32>
        %max3A_578 = arith.constant 0 : i32
        %max3A_579 = vector.broadcast %max3A_578 : i32 to vector<16xi32>
        %max3A_580 = arith.maxsi %sub3A_577, %max3A_579 : vector<16xi32>
        %gather3A_581 = tpu.vector_load_idx %arg10[%max3A_580] : memref<16xi32, #tpu.memory_space<vmem>>[vector<16xi32>], vector<16xi32>,
        %ge3A_582 = arith.constant 4 : i32
        %ge3A_583 = vector.broadcast %ge3A_582 : i32 to vector<16xi32>
        %ge3A_584 = arith.cmpi sge, %iota3A, %ge3A_583 : vector<16xi32>
        %jit3A_585 = arith.constant 0 : i32
        %broadcast_in_dim3A_586 = vector.broadcast %jit3A_585 : i32 to vector<16xi32>
        %select_n3A_587 = arith.select %ge3A_584, %gather3A_581, %broadcast_in_dim3A_586 : vector<16xi1>, vector<16xi32>
        %add3A_588 = arith.addi %add3A_572, %select_n3A_587 : vector<16xi32>
        %swap3A_589 = arith.constant 0 : index
        %swap3A_590 = tpu.vector_load %arg10[%swap3A_589] {strides = array<i32>} : memref<16xi32, #tpu.memory_space<vmem>>, vector<16xi32>,
        tpu.vector_store %arg10[%swap3A_589], %add3A_588 {strides = array<i32>} : memref<16xi32, #tpu.memory_space<vmem>>, vector<16xi32>,
        %sub3A_591 = arith.constant 8 : i32
        %sub3A_592 = vector.broadcast %sub3A_591 : i32 to vector<16xi32>
        %sub3A_593 = arith.subi %iota3A, %sub3A_592 : vector<16xi32>
        %max3A_594 = arith.constant 0 : i32
        %max3A_595 = vector.broadcast %max3A_594 : i32 to vector<16xi32>
        %max3A_596 = arith.maxsi %sub3A_593, %max3A_595 : vector<16xi32>
        %gather3A_597 = tpu.vector_load_idx %arg10[%max3A_596] : memref<16xi32, #tpu.memory_space<vmem>>[vector<16xi32>], vector<16xi32>,
        %ge3A_598 = arith.constant 8 : i32
        %ge3A_599 = vector.broadcast %ge3A_598 : i32 to vector<16xi32>
        %ge3A_600 = arith.cmpi sge, %iota3A, %ge3A_599 : vector<16xi32>
        %jit3A_601 = arith.constant 0 : i32
        %broadcast_in_dim3A_602 = vector.broadcast %jit3A_601 : i32 to vector<16xi32>
        %select_n3A_603 = arith.select %ge3A_600, %gather3A_597, %broadcast_in_dim3A_602 : vector<16xi1>, vector<16xi32>
        %add3A_604 = arith.addi %add3A_588, %select_n3A_603 : vector<16xi32>
        %add3A_605 = arith.addi %scan3A_531, %add3A_604 : vector<16xi32>
        %le3A = arith.cmpi sle, %add3A_605, %sub3A_521 : vector<16xi32>
        %and3A = arith.andi %eq3A, %le3A : vector<16xi1>
        %xor3A_606 = vector.broadcast %squeeze3A : i32 to vector<16xi32>
        %xor3A_607 = arith.xori %get3A_535, %xor3A_606 : vector<16xi32>
        %lt3A_608 = arith.cmpi slt, %xor3A_607, %xor3A_523 : vector<16xi32>
        %or3A_609 = arith.ori %lt3A_608, %and3A : vector<16xi1>
        %mul3A_610 = arith.constant 16 : i32
        %mul3A_611 = arith.muli %scan3A_530, %mul3A_610 : i32
        %get3A_612 = arith.index_cast %mul3A_611 : i32 to index
        %get3A_613 = tpu.vector_load %arg8[%get3A_612] {strides = array<i32>} : memref<512xf32, #tpu.memory_space<vmem>>, vector<16xf32>,
        %mul3A_614 = arith.mulf %get3A_613, %div3A_163 : vector<16xf32>
        %jit3A_615 = arith.constant 0.000000e+00 : f32
        %broadcast_in_dim3A_616 = vector.broadcast %jit3A_615 : f32 to vector<16xf32>
        %select_n3A_617 = arith.select %or3A_609, %broadcast_in_dim3A_616, %mul3A_614 : vector<16xi1>, vector<16xf32>
        %mul3A_618 = arith.constant 16 : i32
        %mul3A_619 = arith.muli %scan3A_530, %mul3A_618 : i32
        %swap3A_620 = arith.index_cast %mul3A_619 : i32 to index
        %swap3A_621 = tpu.vector_load %arg8[%swap3A_620] {strides = array<i32>} : memref<512xf32, #tpu.memory_space<vmem>>, vector<16xf32>,
        tpu.vector_store %arg8[%swap3A_620], %select_n3A_617 {strides = array<i32>} : memref<512xf32, #tpu.memory_space<vmem>>, vector<16xf32>,
        %all_reduce_population_count3A_622 = tpu.all_reduce %eq3A {dim = 0 : i64, kind = #tpu.reduction_kind<sum>} : vector<16xi1> -> vector<16xi32>
        %add3A_623 = arith.addi %scan3A_531, %all_reduce_population_count3A_622 : vector<16xi32>
        scf.yield %add3A_623 : vector<16xi32>
      }
      %scan3A_529 = arith.constant 32 : i32
      "tpu.region"() ({
        %run_scoped3A = tpu.sem_alloc : memref<!tpu.dma_semaphore, #tpu.memory_space<semaphore_mem>>
        %dma_start3A = tpu.memref_slice %arg5[%add3A_17] : memref<32768xf32, #tpu.memory_space<hbm>> -> memref<512xf32, #tpu.memory_space<hbm>>
        %dma_start3A_530 = tpu.memref_slice %arg5[%add3A_17] : memref<32768xf32, #tpu.memory_space<hbm>> -> memref<512xf32, #tpu.memory_space<hbm>>
        tpu.enqueue_dma source(%arg8 : memref<512xf32, #tpu.memory_space<vmem>>) target(%dma_start3A_530 : memref<512xf32, #tpu.memory_space<hbm>>) target_semaphore(%run_scoped3A : memref<!tpu.dma_semaphore, #tpu.memory_space<semaphore_mem>>)
        %dma_wait3A = tpu.memref_slice %arg5[%add3A_17] : memref<32768xf32, #tpu.memory_space<hbm>> -> memref<512xf32, #tpu.memory_space<hbm>>
        %dma_wait3A_531 = tpu.memref_slice %arg5[%add3A_17] : memref<32768xf32, #tpu.memory_space<hbm>> -> memref<512xf32, #tpu.memory_space<hbm>>
        tpu.wait_dma2 semaphore(%run_scoped3A : memref<!tpu.dma_semaphore, #tpu.memory_space<semaphore_mem>>) src(%arg8 : memref<512xf32, #tpu.memory_space<vmem>>) dst(%dma_wait3A_531 : memref<512xf32, #tpu.memory_space<hbm>>)
        tpu.yield
      }) : () -> ()
    }
    %scan3A_10 = arith.constant 2 : i32
    return
  }
}

module attributes {stable_mosaic.version = 14 : i64} {
  func.func @_scores_body(%arg0: i32, %arg1: memref<2048x768xf32, #tpu.memory_space<vmem>>, %arg2: memref<768x768xf32, #tpu.memory_space<vmem>>, %arg3: memref<1x768xf32, #tpu.memory_space<vmem>>, %arg4: memref<768x1xf32, #tpu.memory_space<vmem>>, %arg5: memref<1x1xf32, #tpu.memory_space<vmem>>, %arg6: memref<2048x1xf32, #tpu.memory_space<vmem>>) attributes {dimension_semantics = [#tpu.dimension_semantics<arbitrary>], iteration_bounds = array<i64: 16>, scalar_prefetch = 0 : i64, scratch_operands = 0 : i64, tpu.core_type = #tpu.core_type<tc>, window_params = [{transform_indices = @transform_0, window_bounds = array<i64: 2048, 768>}, {pipeline_mode = #tpu.pipeline_mode<synchronous>, transform_indices = @transform_1, window_bounds = array<i64: 768, 768>}, {pipeline_mode = #tpu.pipeline_mode<synchronous>, transform_indices = @transform_2, window_bounds = array<i64: 1, 768>}, {pipeline_mode = #tpu.pipeline_mode<synchronous>, transform_indices = @transform_3, window_bounds = array<i64: 768, 1>}, {pipeline_mode = #tpu.pipeline_mode<synchronous>, transform_indices = @transform_4, window_bounds = array<i64: 1, 1>}, {transform_indices = @transform_5, window_bounds = array<i64: 2048, 1>}]} {
    %get3A = arith.constant 0 : index
    %get3A_0 = arith.constant 0 : index
    %get3A_1 = vector.load %arg1[%get3A, %get3A_0] : memref<2048x768xf32, #tpu.memory_space<vmem>>, vector<2048x768xf32>
    %get3A_2 = arith.constant 0 : index
    %get3A_3 = arith.constant 0 : index
    %get3A_4 = vector.load %arg2[%get3A_2, %get3A_3] : memref<768x768xf32, #tpu.memory_space<vmem>>, vector<768x768xf32>
    %dot_general3A = arith.constant dense<0.000000e+00> : vector<2048x768xf32>
    %dot_general3A_5 = tpu.matmul %get3A_1, %get3A_4, %dot_general3A {dimension_numbers = #tpu.dot_dimension_numbers<[1], [0], [0], [1], [0, 0, 1, 1], [], []>, transpose_lhs_hint = false} : vector<2048x768xf32>, vector<768x768xf32>, vector<2048x768xf32> -> vector<2048x768xf32>
    %get3A_6 = arith.constant 0 : index
    %get3A_7 = arith.constant 0 : index
    %get3A_8 = vector.load %arg3[%get3A_6, %get3A_7] : memref<1x768xf32, #tpu.memory_space<vmem>>, vector<1x768xf32>
    %add3A = vector.broadcast %get3A_8 : vector<1x768xf32> to vector<2048x768xf32>
    %add3A_9 = arith.addf %dot_general3A_5, %add3A : vector<2048x768xf32>
    %tanh3A = math.tanh %add3A_9 : vector<2048x768xf32>
    %get3A_10 = arith.constant 0 : index
    %get3A_11 = arith.constant 0 : index
    %get3A_12 = vector.load %arg4[%get3A_10, %get3A_11] : memref<768x1xf32, #tpu.memory_space<vmem>>, vector<768x1xf32>
    %dot_general3A_13 = arith.constant dense<0.000000e+00> : vector<2048x1xf32>
    %dot_general3A_14 = tpu.matmul %tanh3A, %get3A_12, %dot_general3A_13 {dimension_numbers = #tpu.dot_dimension_numbers<[1], [0], [0], [1], [0, 0, 1, 1], [], []>, transpose_lhs_hint = false} : vector<2048x768xf32>, vector<768x1xf32>, vector<2048x1xf32> -> vector<2048x1xf32>
    %get3A_15 = arith.constant 0 : index
    %get3A_16 = arith.constant 0 : index
    %get3A_17 = vector.load %arg5[%get3A_15, %get3A_16] : memref<1x1xf32, #tpu.memory_space<vmem>>, vector<1x1xf32>
    %get3A_18 = vector.extract %get3A_17[0, 0] : f32 from vector<1x1xf32>
    %add3A_19 = vector.broadcast %get3A_18 : f32 to vector<2048x1xf32>
    %add3A_20 = arith.addf %dot_general3A_14, %add3A_19 : vector<2048x1xf32>
    %swap3A = arith.constant 0 : index
    %swap3A_21 = arith.constant 0 : index
    %swap3A_22 = vector.load %arg6[%swap3A, %swap3A_21] : memref<2048x1xf32, #tpu.memory_space<vmem>>, vector<2048x1xf32>
    tpu.vector_store %arg6[%swap3A, %swap3A_21], %add3A_20 {strides = array<i32>} : memref<2048x1xf32, #tpu.memory_space<vmem>>, vector<2048x1xf32>,
    return
  }
  func.func @transform_0(%arg0: i32) -> (i32, i32) {
    %c0_i32 = arith.constant 0 : i32
    %c0_i32_0 = arith.constant 0 : i32
    return %arg0, %c0_i32 : i32, i32
  }
  func.func @transform_1(%arg0: i32) -> (i32, i32) {
    %c0_i32 = arith.constant 0 : i32
    %c0_i32_0 = arith.constant 0 : i32
    %c0_i32_1 = arith.constant 0 : i32
    return %c0_i32, %c0_i32_0 : i32, i32
  }
  func.func @transform_2(%arg0: i32) -> (i32, i32) {
    %c0_i32 = arith.constant 0 : i32
    %c0_i32_0 = arith.constant 0 : i32
    %c0_i32_1 = arith.constant 0 : i32
    return %c0_i32, %c0_i32_0 : i32, i32
  }
  func.func @transform_3(%arg0: i32) -> (i32, i32) {
    %c0_i32 = arith.constant 0 : i32
    %c0_i32_0 = arith.constant 0 : i32
    %c0_i32_1 = arith.constant 0 : i32
    return %c0_i32, %c0_i32_0 : i32, i32
  }
  func.func @transform_4(%arg0: i32) -> (i32, i32) {
    %c0_i32 = arith.constant 0 : i32
    %c0_i32_0 = arith.constant 0 : i32
    %c0_i32_1 = arith.constant 0 : i32
    return %c0_i32, %c0_i32_0 : i32, i32
  }
  func.func @transform_5(%arg0: i32) -> (i32, i32) {
    %c0_i32 = arith.constant 0 : i32
    %c0_i32_0 = arith.constant 0 : i32
    return %arg0, %c0_i32 : i32, i32
  }
}

module attributes {stable_mosaic.version = 14 : i64} {
  func.func @_apply_body(%arg0: i32, %arg1: memref<2048x768xf32, #tpu.memory_space<vmem>>, %arg2: memref<2048x1xf32, #tpu.memory_space<vmem>>, %arg3: memref<1x768xf32, #tpu.memory_space<vmem>>, %arg4: memref<2048x768xf32, #tpu.memory_space<vmem>>) attributes {dimension_semantics = [#tpu.dimension_semantics<parallel>], iteration_bounds = array<i64: 16>, scalar_prefetch = 0 : i64, scratch_operands = 0 : i64, tpu.core_type = #tpu.core_type<tc>, window_params = [{transform_indices = @transform_0, window_bounds = array<i64: 2048, 768>}, {transform_indices = @transform_1, window_bounds = array<i64: 2048, 1>}, {pipeline_mode = #tpu.pipeline_mode<synchronous>, transform_indices = @transform_2, window_bounds = array<i64: 1, 768>}, {transform_indices = @transform_3, window_bounds = array<i64: 2048, 768>}]} {
    %get3A = arith.constant 0 : index
    %get3A_0 = arith.constant 0 : index
    %get3A_1 = vector.load %arg2[%get3A, %get3A_0] : memref<2048x1xf32, #tpu.memory_space<vmem>>, vector<2048x1xf32>
    %get3A_2 = arith.constant 0 : index
    %get3A_3 = arith.constant 0 : index
    %get3A_4 = vector.load %arg1[%get3A_2, %get3A_3] : memref<2048x768xf32, #tpu.memory_space<vmem>>, vector<2048x768xf32>
    %mul3A = vector.broadcast %get3A_1 : vector<2048x1xf32> to vector<2048x768xf32>
    %mul3A_5 = arith.mulf %get3A_4, %mul3A : vector<2048x768xf32>
    %sub3A = arith.constant 1.000000e+00 : f32
    %sub3A_6 = vector.broadcast %sub3A : f32 to vector<2048x1xf32>
    %sub3A_7 = arith.subf %sub3A_6, %get3A_1 : vector<2048x1xf32>
    %get3A_8 = arith.constant 0 : index
    %get3A_9 = arith.constant 0 : index
    %get3A_10 = vector.load %arg3[%get3A_8, %get3A_9] : memref<1x768xf32, #tpu.memory_space<vmem>>, vector<1x768xf32>
    %mul3A_11 = vector.broadcast %sub3A_7 : vector<2048x1xf32> to vector<2048x768xf32>
    %mul3A_12 = vector.broadcast %get3A_10 : vector<1x768xf32> to vector<2048x768xf32>
    %mul3A_13 = arith.mulf %mul3A_11, %mul3A_12 : vector<2048x768xf32>
    %add3A = arith.addf %mul3A_5, %mul3A_13 : vector<2048x768xf32>
    %swap3A = arith.constant 0 : index
    %swap3A_14 = arith.constant 0 : index
    %swap3A_15 = vector.load %arg4[%swap3A, %swap3A_14] : memref<2048x768xf32, #tpu.memory_space<vmem>>, vector<2048x768xf32>
    tpu.vector_store %arg4[%swap3A, %swap3A_14], %add3A {strides = array<i32>} : memref<2048x768xf32, #tpu.memory_space<vmem>>, vector<2048x768xf32>,
    return
  }
  func.func @transform_0(%arg0: i32) -> (i32, i32) {
    %c0_i32 = arith.constant 0 : i32
    %c0_i32_0 = arith.constant 0 : i32
    return %arg0, %c0_i32 : i32, i32
  }
  func.func @transform_1(%arg0: i32) -> (i32, i32) {
    %c0_i32 = arith.constant 0 : i32
    %c0_i32_0 = arith.constant 0 : i32
    return %arg0, %c0_i32 : i32, i32
  }
  func.func @transform_2(%arg0: i32) -> (i32, i32) {
    %c0_i32 = arith.constant 0 : i32
    %c0_i32_0 = arith.constant 0 : i32
    %c0_i32_1 = arith.constant 0 : i32
    return %c0_i32, %c0_i32_0 : i32, i32
  }
  func.func @transform_3(%arg0: i32) -> (i32, i32) {
    %c0_i32 = arith.constant 0 : i32
    %c0_i32_0 = arith.constant 0 : i32
    return %arg0, %c0_i32 : i32, i32
  }
}

</mosaic_0001>

<sc_bundles>
// kernel: kernel.5.cloned.1.call-start
scs
__scs_entry_jumppad:
0x0: {  	(pc) =	sbr.rel $0x88, $3  }
0x1: {  	(tag) =	ssettag $0x0;
	lr =	simm.s32 $0x1  }
0x2: {  	[smem:$0x3F9B] =	sst lr;
	_ =	strace $0xD0000000  }
0x3: {  	_ = 	snop  }
0x4: {  	_ = 	snop  }
0x5: {  	_ = 	snop  }
0x6: {  	_ = 	snop  }
0x7: {  	_ = 	snop  }
__scs_overlays_trampoline_lowered:
0x8: {  	[smem:$0x3FAA] =	sst s0  }
0x9: {  	[smem:$0x3FAB] =	sst s1  }
0xa: {  	[smem:$0x3FAC] =	sst s2  }
0xb: {  	[smem:$0x3FAD] =	sst s3  }
0xc: {  	[smem:$0x3FAE] =	sst s4  }
0xd: {  	[smem:$0x3FAF] =	sst s5  }
0xe: {  	[smem:$0x3FB0] =	sst s6  }
0xf: {  	[smem:$0x3FB1] =	sst s7  }
0x10: {  	[smem:$0x3FB2] =	sst s8  }
0x11: {  	[smem:$0x3FB3] =	sst s9;
	s0 =	simm.s32 @!p0 $0x0  }
0x12: {  	s1 =	sld [smem:$0x3F99];
	s0 =	simm.s32 @p0 $0x1  }
0x13: {  	[smem:$0x3FB4] =	sst s0;
	s0 =	simm.s32 @!p1 $0x0  }
0x14: {  	s2 =	sld [smem:$0x3F98];
	s0 =	simm.s32 @p1 $0x1  }
0x15: {  	[smem:$0x3FB5] =	sst s0;
	s0 =	simm.s32 @!p2 $0x0  }
0x16: {  	s3 =	sld [smem:$0x3FDB];
	s0 =	simm.s32 @p2 $0x1  }
0x17: {  	s4 =	simm.s32 $0x1BF5;
	[smem:$0x3FB7] =	sst s0  }
0x18: {  	s0 =	sld [smem:$0x3F9A];
	_ =	swait.ge [sflag:s4], $0x0  }
0x19: {  	s7 =	sld [smem:$0x3F9B]  }
0x1a: {  	s8 =	sadd.s32 $0xFFFFE003, lr  }
0x1b: {  	s9 =	sadd.s32 $0xFFFFFEF7, lr;
	s5 =	simm.s32 $0xFFFFFFFF;
	p2 =	slt.u32 s8, $0xFFFFF086  }
0x1c: {  	p1 =	slt.u32 s9, $0xF7A;
	s5 =	simm.s32 @!p2 $0x0  }
0x1d: {  	s5 =	simm.s32 @p1 $0x1;
	p0 =	seq.s32 s7, s2  }
0x1e: {  	s7 =	smul.u32 @!p0 $0xF7A, s2;
	p2 =	seq.s32 @!p0 s5, $0x0  }
0x1f: {  	s9 =	smul.u32 $0xF7A, s1;
	s8 =	simm.s32 @!p0 $0x1BF5;
	p2 =	por !p2, p0  }
0x20: {  	[sflag:s8] =	ssyncset.s32 @!p0 $0xFFFFF086;
	s6 =	sadd.s32 @!p0 s3, s7;
	s7 =	simm.s32 @!p0 $0x108  }
0x21: {  	s3 =	sadd.s32 s3, s9;
	s6 =	sadd.s32 @!p0 $0x88, s6;
	s7 =	simm.s32 @p2 $0x1082  }
0x22: {  	[simem:s7], [sflag:s8] =	dma.local @!p0 [hbm:s6], $0xF7A  }
0x23: {  	s9 =	sor.u32 $0xD0000000, s2;
	s6 =	simm.s32 $0x108;
	_ =	swait.ge @!p0 [sflag:s8], $0x0  }
0x24: {  	s3 =	sadd.s32 $0x88, s3;
	s6 =	simm.s32 @!p1 $0x1082;
	[sflag:s4] =	ssyncset.s32 $0xFFFFF086  }
0x25: {  	[simem:s6], [sflag:s4] =	dma.local [hbm:s3], $0xF7A  }
0x26: {  	[smem:$0x3F9B] =	sst s1;
	(tag) =	ssettag s2;
	_ =	strace s9  }
0x27: {  	s1 =	sld [smem:$0x3FAB]  }
0x28: {  	s2 =	sld [smem:$0x3FAC]  }
0x29: {  	s4 =	sld [smem:$0x3FAE]  }
0x2a: {  	p0 =	seq.s32 s5, $0x0;
	s5 =	sld [smem:$0x3FAF]  }
0x2b: {  	s6 =	sld [smem:$0x3FB0]  }
0x2c: {  	s7 =	sld [smem:$0x3FB1]  }
0x2d: {  	s3 =	simm.s32 $0x108;
	s8 =	sld [smem:$0x3FB2]  }
0x2e: {  	s3 =	simm.s32 @!p0 $0x1082;
	s9 =	sld [smem:$0x3FB3]  }
0x2f: {  	lr =	sadd.s32 s0, s3;
	s0 =	sld [smem:$0x3FAA]  }
0x30: {  	s3 =	sld [smem:$0x3FAD]  }
0x31: {  	[smem:$0x3FB6] =	sst s10  }
0x32: {  	s10 =	sld [smem:$0x3FB4];
	_ =	sdelay $0x3  }
0x33: {  	p0 =	seq.s32 s10, $0x1;
	s10 =	sld [smem:$0x3FB6];
	_ =	sdelay $0x3  }
0x34: {  	[smem:$0x3FB6] =	sst s10  }
0x35: {  	s10 =	sld [smem:$0x3FB5];
	_ =	sdelay $0x3  }
0x36: {  	p1 =	seq.s32 s10, $0x1;
	s10 =	sld [smem:$0x3FB6];
	_ =	sdelay $0x3  }
0x37: {  	[smem:$0x3FB6] =	sst s10  }
0x38: {  	s10 =	sld [smem:$0x3FB7]  }
0x39: {  	_ = 	snop;
	(pc) =	sbr.ind lr, $3  }
0x3a: {  	_ = 	snop  }
0x3b: {  	_ = 	snop  }
0x3c: {  	p2 =	seq.s32 s10, $0x1;
	s10 =	sld [smem:$0x3FB6]  }
0x3d: {  	_ =	shalt  }
0x3e: {  	_ =	shalt  }
0x3f: {  	_ =	shalt  }
0x40: {  	_ =	shalt  }
0x41: {  	_ =	shalt  }
0x42: {  	_ =	shalt  }
0x43: {  	_ =	shalt  }
0x44: {  	_ =	shalt  }
0x45: {  	_ =	shalt  }
0x46: {  	_ =	shalt  }
0x47: {  	_ =	shalt  }
0x48: {  	_ =	shalt  }
0x49: {  	_ =	shalt  }
0x4a: {  	_ =	shalt  }
0x4b: {  	_ =	shalt  }
0x4c: {  	_ =	shalt  }
0x4d: {  	_ =	shalt  }
0x4e: {  	_ =	shalt  }
0x4f: {  	_ =	shalt  }
0x50: {  	_ =	shalt  }
0x51: {  	_ =	shalt  }
0x52: {  	_ =	shalt  }
0x53: {  	_ =	shalt  }
0x54: {  	_ =	shalt  }
0x55: {  	_ =	shalt  }
0x56: {  	_ =	shalt  }
0x57: {  	_ =	shalt  }
0x58: {  	_ =	shalt  }
0x59: {  	_ =	shalt  }
0x5a: {  	_ =	shalt  }
0x5b: {  	_ =	shalt  }
0x5c: {  	_ =	shalt  }
0x5d: {  	_ =	shalt  }
0x5e: {  	_ =	shalt  }
0x5f: {  	_ =	shalt  }
0x60: {  	_ =	shalt  }
0x61: {  	_ =	shalt  }
0x62: {  	_ =	shalt  }
0x63: {  	_ =	shalt  }
0x64: {  	_ =	shalt  }
0x65: {  	_ =	shalt  }
0x66: {  	_ =	shalt  }
0x67: {  	_ =	shalt  }
0x68: {  	_ =	shalt  }
0x69: {  	_ =	shalt  }
0x6a: {  	_ =	shalt  }
0x6b: {  	_ =	shalt  }
0x6c: {  	_ =	shalt  }
0x6d: {  	_ =	shalt  }
0x6e: {  	_ =	shalt  }
0x6f: {  	_ =	shalt  }
0x70: {  	_ =	shalt  }
0x71: {  	_ =	shalt  }
0x72: {  	_ =	shalt  }
0x73: {  	_ =	shalt  }
0x74: {  	_ =	shalt  }
0x75: {  	_ =	shalt  }
0x76: {  	_ =	shalt  }
0x77: {  	_ =	shalt  }
0x78: {  	_ =	shalt  }
0x79: {  	_ =	shalt  }
0x7a: {  	_ =	shalt  }
0x7b: {  	_ =	shalt  }
0x7c: {  	_ =	shalt  }
0x7d: {  	_ =	shalt  }
0x7e: {  	_ =	shalt  }
0x7f: {  	_ =	shalt  }
0x80: {  	_ =	shalt  }
0x81: {  	_ =	shalt  }
0x82: {  	_ =	shalt  }
0x83: {  	_ =	shalt  }
0x84: {  	_ =	shalt  }
0x85: {  	_ =	shalt  }
0x86: {  	_ =	shalt  }
0x87: {  	_ =	shalt  }
.Lfunc_end0:
.L_simem_size_0:
called_computation_lowered:
.L_overlay_start_0:
0x88: {  	s2 =	sld [smem:$0x3FD9]  }
0x89: {  	s3 =	sld [smem:$0x3FFE];
	_ =	sdelay $0x1  }
0x8a: {  	s1 =	srdreg.scid  }
0x8b: {  	s0 =	sand.u32 $0x1, s1  }
0x8c: {  	s14 =	sshll.u32 s0, $0xA;
	s2 =	sadd.s32 s3, s2  }
0x8d: {  	s2 =	sadd.s32 s2, s14  }
0x8e: {  	[smem:$0x3FC2] =	sst s2  }
0x8f: {  	_ = 	snop  }
0x90: {  	s2 =	sld [smem:$0x3FD0];
	_ =	sdelay $0x2  }
0x91: {  	s15 =	simm.s32 $0xA;
	s4 =	simm.s32 $0x10  }
0x92: {  	[smem:s4], [sflag:s15] =	dma.local [hbm:s2], $0x1  }
0x93: {  	_ =	swait.eq [sflag:s15], $0x1  }
0x94: {  	[sflag:s15] =	ssyncset.done $0x0  }
0x95: {  	s16 =	sld [smem:$0x10];
	[sflag:s15] =	ssyncadd.s32 $0xFFFFFFFF  }
0x96: {  	s17 =	sld [smem:$0x11];
	(tm) =	ssettm $0x1  }
0x97: {  	s18 =	sld [smem:$0x3FFB];
	_ =	sdelay $0x3  }
0x98: {  	_ =	strace s18  }
0x99: {  	s4 =	sld [smem:$0x3FFC];
	_ =	sdelay $0x3  }
0x9a: {  	_ =	strace s4  }
0x9b: {  	s4 =	sld [smem:$0x3FFD];
	_ =	sdelay $0x3  }
0x9c: {  	_ =	strace s4  }
0x9d: {  	_ =	strace $0x8FFFFFFF  }
0x9e: {  	s19 =	sld [smem:$0x3FDB];
	_ =	sdelay $0x1  }
0x9f: {  	s5 =	simm.s32 $_scs_section_size  }
0xa0: {  	s6 =	simm.s32 $_size__tile_overlayer_lowered;
	s7 =	simm.s32 $_tile_overlayer_lowered  }
0xa1: {  	s22 =	simm.s32 $0x1BFF;
	s21 =	sshll.u32 s7, $0x1;
	s4 =	sadd.s32 s5, s19  }
0xa2: {  	s8 =	simm.s32 $0x0;
	s20 =	sshll.u32 s6, $0x1;
	s6 =	sadd.s32 s21, s4  }
0xa3: {  	[timem:s8], [sflag:s22] =	dma.local [hbm:s6], s20  }
0xa4: {  	_ =	swait.ge [sflag:s22], s20  }
0xa5: {  	s5 =	ssub.s32 $0x0, s20;
	[sflag:s22] =	ssyncset.done $0x0  }
0xa6: {  	[sflag:s22] =	ssyncadd.s32 s5;
	_ =	sdelay $0x1  }
0xa7: {  	s23 =	simm.s32 $0x1B8B  }
0xa8: {  	_ =	swait.ge [sflag:s23], $0x1  }
0xa9: {  	[sflag:s23] =	ssyncset.done $0x0  }
0xaa: {  	s25 =	simm.s32 $0x1B8E;
	s24 =	sld [smem:$0x3FFE];
	[sflag:s23] =	ssyncadd.s32 $0xFFFFFFFF  }
0xab: {  	s26 =	simm.s32 $execute0_lowered;
	[smem:$0x3FD2] =	sst s25  }
0xac: {  	s6 =	sshll.u32 s26, $0x1;
	_ =	strace $0x80000046;
	[dreg:$0x1] =	wrdreg $0xFFFFFFFF  }
0xad: {  	s28 =	simm.s32 $_size_execute0_lowered;
	s4 =	sadd.s32 s4, s6;
	[dreg:$0x0] =	wrdreg $0x0  }
0xae: {  	s6 =	sshll.u32 s28, $0x1;
	[dreg:$0x2] =	wrdreg s4  }
0xaf: {  	[dreg:$0x3] =	wrdreg s6  }
0xb0: {  	[dreg:$0x4] =	wrdreg $0xC0  }
0xb1: {  	_ =	task [dreg:s8], $0x5FFFF  }
0xb2: {  	[dreg:$0x1] =	wrdreg $0xFFFFFFFF  }
0xb3: {  	[dreg:$0x0] =	wrdreg $0x60  }
0xb4: {  	[dreg:$0x2] =	wrdreg s17  }
0xb5: {  	[dreg:$0x3] =	wrdreg s16  }
0xb6: {  	[dreg:$0x4] =	wrdreg s24  }
0xb7: {  	[dreg:$0x5] =	wrdreg $0xA000  }
0xb8: {  	[dreg:$0x6] =	wrdreg $0xA200  }
0xb9: {  	[dreg:$0x7] =	wrdreg $0x9  }
0xba: {  	_ =	task.clear_ibuf [dreg:s8], $0x8FFFF;
	_ =	strace $0x90000046  }
0xbb: {  	s29 =	simm.s32 $0x9;
	_ =	strace $0x80000048  }
0xbc: {  	_ =	swait.ge [sflag:s29], $0x1  }
0xbd: {  	[sflag:s29] =	ssyncadd.s32 $0xFFFFFFFF  }
0xbe: {  	_ =	strace $0x90000048  }
0xbf: {  	_ =	sfence  }
0xc0: {  	s30 =	sld [smem:$0x0];
	_ =	sdelay $0x2  }
0xc1: {  	s31 =	sshll.u32 s1, $0xD;
	s1 =	sshrl.u32 s1, $0x2  }
0xc2: {  	s3 =	sand.u32 $0x4000, s31;
	s1 =	sadd.s32 s1, s30  }
0xc3: {  	s0 =	sor.u32 s3, s0;
	s1 =	sshll.u32 s1, $0x11  }
0xc4: {  	s0 =	sor.u32 s1, s0  }
0xc5: {  	s0 =	sadd.s32 $0x8F2B, s0  }
0xc6: {  	[sflag:s0] =	ssyncadd.remote.s32 $0x1  }
0xc7: {  	_ =	sfence.sel $0xFFFF  }
0xc8: {  	[dreg:$0x0] =	wrdreg $0xFFFFFFFF;
	(pc) =	sbr.abs _section_cstart, $3  }
0xc9: {  	[dreg:$0x1] =	wrdreg $0xFFFFFFFF  }
0xca: {  	_ =	task.clear_ibuf [dreg:s8], $0x2FFFF;
	_ =	strace $0x9FFFFFFF  }
0xcb: {  	(tm) =	ssettm $0x7FFFFFFF  }
tec
execute0_lowered:
.L_overlay_start_1:
0x0: {  	(tag) =	ssettag $0x1  }
0x1: {  	v0 =	vimm.s32 $0xFEDCBA98;
	v1 =	vimm.s32 $0x76543210  }
0x2: {  	v2 =	vimm.s32 $0xBA98FEDC;
	v3 =	vimm.s32 $0x32107654;
	v4 =	vimm.s32 $0xDCFE98BA  }
0x3: {  	v5 =	vimm.s32 $0x54761032;
	v6 =	vimm.s32 $0xEFCDAB89;
	v7 =	vimm.s32 $0x67452301  }
0x4: {  	v16 =	vimm.s32 $0xEDCBA987;
	v18 =	vimm.s32 $0x65432100;
	v24 =	vimm.s32 $0x54321000  }
0x5: {  	v25 =	vimm.s32 $0xDCBA9876;
	v26 =	vimm.s32 $0xBA987654;
	v27 =	vimm.s32 $0x32100000  }
0x6: {  	v28 =	vimm.s32 $0xE40000;
	vm0 =	vmmov $0x3;
	vm1 =	vmmov $0xf  }
0x7: {  	vm2 =	vcmask $0x3F30;
	v0 =	vunpack.c.l.s4.s8 v0;
	v1 =	vunpack.c.l.s4.s8 v1  }
0x8: {  	v2 =	vunpack.c.l.s4.s8 v2;
	v3 =	vunpack.c.l.s4.s8 v3;
	v4 =	vunpack.c.l.s4.s8 v4  }
0x9: {  	v5 =	vunpack.c.l.s4.s8 v5;
	v6 =	vunpack.c.l.s4.s8 v6;
	v7 =	vunpack.c.l.s4.s8 v7  }
0xa: {  	v20 =	vunpack.c.l.s4.s8 v16;
	v22 =	vunpack.c.l.s4.s8 v18;
	v24 =	vunpack.c.l.s4.s8 v24  }
0xb: {  	v25 =	vunpack.c.l.s4.s8 v25;
	v26 =	vunpack.c.l.s4.s8 v26;
	v27 =	vunpack.c.l.s4.s8 v27  }
0xc: {  	v28 =	vunpack.c.l.s2.s4 v28;
	v0 =	vunpack.c.0.s8.s32 v0;
	v2 =	vunpack.c.0.s8.s32 v2  }
0xd: {  	v3 =	vunpack.c.0.s8.s32 v3;
	v4 =	vunpack.c.0.s8.s32 v4;
	v5 =	vunpack.c.0.s8.s32 v5  }
0xe: {  	s0 =	stileid.u32;
	v6 =	vunpack.c.0.s8.s32 v6;
	v7 =	vunpack.c.0.s8.s32 v7;
	v8 =	vunpack.c.0.s8.s32 v1  }
0xf: {  	v1 =	vmov s0;
	v23 =	vunpack.c.0.s8.s32 v20;
	v22 =	vunpack.c.0.s8.s32 v22  }
0x10: {  	s1 =	rddreg [dreg:$0x0];
	v25 =	vunpack.c.0.s8.s32 v25;
	v24 =	vunpack.c.0.s8.s32 v24;
	v26 =	vunpack.c.0.s8.s32 v26  }
0x11: {  	s2 =	rddreg [dreg:$0x1];
	v27 =	vunpack.c.0.s8.s32 v27;
	v28 =	vunpack.c.l.s4.s8 v28;
	v10 =	vcombine.low v3, v2  }
0x12: {  	s8 =	rddreg [dreg:$0x2];
	v9 =	vand.u32 $0xF, v0;
	v5 =	vcombine.low v5, v4;
	v6 =	vcombine.low v7, v6  }
0x13: {  	s3 =	rddreg [dreg:$0x3];
	v0 =	vlaneseq.u32;
	v7 =	vimm.s32 $0x0;
	v23 =	vand.u32 $0xF, v23  }
0x14: {  	s5 =	rddreg [dreg:$0x4];
	v25 =	vand.u32 $0xF, v25;
	v28 =	vunpack.c.0.s8.s32 v28;
	v2 =	vcombine.low v9, v8  }
0x15: {  	s6 =	simm.s32 $0x0;
	s7 =	srdreg.scid;
	s17 =	simm.s32 $0xA40;
	v3 =	vmul.u32 $0x10, v0;
	v8 =	vimm.s32 $0x1;
	v22 =	vcombine.low v22, v23  }
0x16: {  	s18 =	simm.s32 $0xAC0;
	s19 =	simm.s32 $0x1;
	s20 =	simm.s32 $0x600;
	v24 =	vcombine.low v24, v25;
	v25 =	vand.u32 $0xF, v26;
	v4 =	vand.u32 $0xF, v10  }
0x17: {  	s21 =	simm.s32 $0x700;
	s22 =	simm.s32 $0x900;
	s23 =	simm.s32 $0x680;
	v5 =	vand.u32 $0xF, v5;
	v6 =	vand.u32 $0xF, v6;
	v25 =	vcombine.low v27, v25  }
0x18: {  	s24 =	simm.s32 $0x800;
	s25 =	simm.s32 $0x0;
	[smem:$0x7FF] =	sst s6;
	v27 =	vimm.s32 $0x7060504;
	v28 =	vand.u32 $0x3, v28;
	v9 =	vor.u32 $0x1, v3  }
0x19: {  	s9 =	sand.u32 $0x1, s7;
	s7 =	sadd.s32 $0x400, s8;
	s8 =	sadd.s32 $0x600, s8;
	v10 =	vor.u32 $0x2, v3;
	v11 =	vor.u32 $0x3, v3;
	v12 =	vor.u32 $0x4, v3  }
0x1a: {  	s13 =	sshll.u32 s0, $0x6;
	s15 =	sadd.s32 $0x100, s5;
	s10 =	ssub.s32 $0x2, s9;
	v13 =	vor.u32 $0x5, v3;
	v14 =	vor.u32 $0x6, v3;
	v15 =	vor.u32 $0x7, v3  }
0x1b: {  	s12 =	sshll.u32 s9, $0xB;
	s9 =	sshll.u32 s0, $0x4;
	s11 =	sshrl.u32 s10, $0x1;
	v16 =	vor.u32 $0x8, v3;
	v17 =	vor.u32 $0x9, v3;
	v18 =	vor.u32 $0xA, v3  }
0x1c: {  	_ =	strace $0x80000047;
	s14 =	sor.u32 $0x100, s9;
	s16 =	ssub.s32 s10, s11;
	v19 =	vor.u32 $0xB, v3;
	v20 =	vor.u32 $0xC, v3;
	v27 =	vunpack.c.0.s8.s32 v27  }
0x1d: {  	s10 =	sor.u32 s13, s12;
	s11 =	sadd.s32 s9, s3;
	s12 =	sadd.s32 s14, s3;
	v21 =	vor.u32 $0xD, v3;
	v23 =	vor.u32 $0xE, v3;
	v26 =	vor.u32 $0xF, v3  }
0x1e: {  	s13 =	sadd.s32 $0x100, s3;
	s14 =	sadd.s32 s14, s5;
	s16 =	smax.u32 s16, $0x1;
	v27 =	vsel vm2, v27, v28;
	vm2 =	vmmov $0xff;
	v28 =	vimm.s32 $0xF  }
.LBB2_1:
0x1f: {  	[tilespmem:s17], [sflag:$0x1] =	stream.linear.gather [hbm4b:s2+s6], $0x1, $0x38;
	[tilespmem:$0xB40] =	vst v63  }
0x20: {  	_ = 	snop  }
0x21: {  	[tilespmem:s18], [sflag:$0x1] =	stream.linear.gather [hbm4b:s7+s6], $0x1, $0x38;
	[tilespmem:$0xB40] =	vst v63  }
0x22: {  	_ =	swait.ge [sflag:s19], $0x1  }
0x23: {  	[sflag:s19] =	ssyncset.done $0x0  }
0x24: {  	[sflag:s19] =	ssyncadd.s32 $0xFFFFFFFF  }
0x25: {  	_ =	swait.ge [sflag:s19], $0x1  }
0x26: {  	[sflag:s19] =	ssyncset.done $0x0  }
0x27: {  	[sflag:s19] =	ssyncadd.s32 $0xFFFFFFFF  }
0x28: {  	v29 =	vld.msk [tilespmem:$0xA40 ss:$0x0], $0xffff  }
0x29: {  	p1 =	por $0x1, $0x1;
	s26 =	simm.s32 $0x0;
	v30 =	vld.msk [tilespmem:$0xAC0 ss:$0x0], $0xffff  }
.LBB2_2:
0x2a: {  	s26 =	sor.u32 s10, s26  }
0x2b: {  	s29 =	simm.s32 $0x0;
	s28 =	sadd.s32 s1, s26  }
0x2c: {  	[tilespmem:s29], [sflag:$0x1] =	stream.linear.gather [hbm4b:s28+s29], $0x200, $0x38;
	[tilespmem:$0xB40] =	vst v63  }
0x2d: {  	_ =	swait.ge [sflag:s19], $0x200  }
0x2e: {  	[sflag:s19] =	ssyncset.done $0x0  }
0x2f: {  	s28 =	simm.s32 $0x0;
	[sflag:s19] =	ssyncadd.s32 $0xFFFFFE00  }
0x30: {  	v32 =	vld [tilespmem:s28+$0x0];
	_ =	sdelay $0x3  }
0x31: {  	p0 =	por p1, p1;
	v31 =	vimm.f32 $-Inf;
	s29 =	simm.s32 $0x40  }
.LBB2_3:
0x32: {  	s30 =	sshra.s32 s29, $0x2;
	p1 =	sne.s32 s29, $0x7C0;
	s29 =	sadd.s32 $0x40, s29;
	vm3 =	veq.f32 v32, $0.0e+00  }
.Ltmp0:
0x33: {  	v33 =	vsel vm3, $0x0, v32;
	v32 =	vld [tilespmem:s30+$0x0];
	(pc) =	sbr.rel @p1 .LBB2_3-.Ltmp0, $4  }
0x34: {  	v34 =	vshra.s32 v33, $0x1F;
	v31 =	vmax.f32 v31, v33  }
0x35: {  	v34 =	vor.u32 v29, v34  }
0x36: {  	v33 =	vxor.u32 v33, v34  }
0x37: {  	[tilespmem:s28+$0x200] =	vst v33;
	s28 =	smov.u32 s30  }
0x38: {  	vm3 =	veq.f32 v32, $0.0e+00  }
0x39: {  	v32 =	vsel vm3, $0x0, v32  }
0x3a: {  	v33 =	vshra.s32 v32, $0x1F  }
0x3b: {  	v33 =	vor.u32 v29, v33  }
0x3c: {  	v33 =	vxor.u32 v32, v33  }
0x3d: {  	v31 =	vmax.f32 v31, v32;
	[tilespmem:s28+$0x200] =	vst v33  }
0x3e: {  	[tilespmem:$0x600] =	vst v31  }
0x3f: {  	v54 =	vld.idx.msk [tilespmem:v2+s20+$0x0], $0xffff;
	_ =	sdelay $0x4  }
0x40: {  	v31 =	vmax.f32 v31, v54  }
0x41: {  	[tilespmem:$0x600] =	vst v31  }
0x42: {  	v55 =	vld.idx.msk [tilespmem:v4+s20+$0x0], $0xffff;
	_ =	sdelay $0x4  }
0x43: {  	v31 =	vmax.f32 v31, v55  }
0x44: {  	[tilespmem:$0x600] =	vst v31  }
0x45: {  	v56 =	vld.idx.msk [tilespmem:v5+s20+$0x0], $0xffff;
	_ =	sdelay $0x4  }
0x46: {  	v31 =	vmax.f32 v31, v56  }
0x47: {  	[tilespmem:$0x600] =	vst v31  }
0x48: {  	v57 =	vld.idx.msk [tilespmem:v6+s20+$0x0], $0xffff;
	_ =	sdelay $0x4  }
0x49: {  	v31 =	vmax.f32 v31, v57  }
0x4a: {  	[tilespmem:$0x600] =	vst v31  }
0x4b: {  	[spmem:s11] =	stream.linear.scatter [tilespmem:s20], [sflag:$0x1], $0x10, $0x38;
	[tilespmem:$0xB40] =	vst v63  }
0x4c: {  	_ =	swait.ge [sflag:s19], $0x10  }
0x4d: {  	[sflag:s19] =	ssyncset.done $0x0  }
0x4e: {  	[sflag:s19] =	ssyncadd.s32 $0xFFFFFFF0  }
0x4f: {  	[bflag:$0x0] =	sbarrier.arrive $0xFFFF  }
0x50: {  	[tilespmem:s21], [sflag:$0x1] =	stream.linear.gather [spmem:s3], $0x100, $0x38;
	[tilespmem:$0xB40] =	vst v63  }
0x51: {  	_ =	swait.ge [sflag:s19], $0x100  }
0x52: {  	[sflag:s19] =	ssyncset.done $0x0  }
0x53: {  	[sflag:s19] =	ssyncadd.s32 $0xFFFFFF00  }
0x54: {  	v31 =	vld.idx.msk [tilespmem:v3+s21+$0x0], $0xffff;
	_ =	sdelay $0x4  }
0x55: {  	[tilespmem:$0x600] =	vst v31  }
0x56: {  	v58 =	vld.idx.msk [tilespmem:v2+s20+$0x0], $0xffff;
	_ =	sdelay $0x4  }
0x57: {  	v31 =	vmax.f32 v31, v58  }
0x58: {  	[tilespmem:$0x600] =	vst v31  }
0x59: {  	v59 =	vld.idx.msk [tilespmem:v4+s20+$0x0], $0xffff;
	_ =	sdelay $0x4  }
0x5a: {  	v31 =	vmax.f32 v31, v59  }
0x5b: {  	[tilespmem:$0x600] =	vst v31  }
0x5c: {  	v60 =	vld.idx.msk [tilespmem:v5+s20+$0x0], $0xffff;
	_ =	sdelay $0x4  }
0x5d: {  	v31 =	vmax.f32 v31, v60  }
0x5e: {  	[tilespmem:$0x600] =	vst v31  }
0x5f: {  	s29 =	simm.s32 $0x0;
	v61 =	vld.idx.msk [tilespmem:v6+s20+$0x0], $0xffff  }
0x60: {  	v62 =	vld [tilespmem:s29+$0x0];
	_ =	sdelay $0x1  }
0x61: {  	s28 =	simm.s32 $0x10  }
0x62: {  	v34 =	vld [tilespmem:s28+$0x0]  }
0x63: {  	v31 =	vmax.f32 v31, v61  }
0x64: {  	v32 =	vsub.f32 v62, v31;
	_ =	sdelay $0x1  }
0x65: {  	v32 =	vmul.f32 $1.442695020e+00, v32  }
0x66: {  	v63 =	vsub.f32 v34, v31  }
0x67: {  	(erf) = vpow2.f32 v32  }
0x68: {  	v34 =	vmul.f32 $1.442695020e+00, v63  }
0x69: {  	s30 =	simm.s32 $0x20  }
0x6a: {  	v33 =	vld [tilespmem:s30+$0x0];
	(erf) = vpow2.f32 v34;
	_ =	sdelay $0x2  }
0x6b: {  	s31 =	simm.s32 $0xC0;
	v32 =	vimm.f32 $0.0e+00  }
.LBB2_5:
0x6c: {  	p1 =	sne.s32 s31, $0x7C0  }
.Ltmp1:
0x6d: {  	s4 =	sshra.s32 s31, $0x2;
	s31 =	sadd.s32 $0x40, s31;
	v34 =	vsub.f32 v33, v31;
	(pc) =	sbr.rel @p1 .LBB2_5-.Ltmp1, $4  }
0x6e: {  	v33 =	vld [tilespmem:s4+$0x0];
	v35 =	vpop (erf)  }
0x6f: {  	v34 =	vmul.f32 $1.442695020e+00, v34;
	[tilespmem:s29+$0x400] =	vst v35;
	v32 =	vadd.f32 v35, v32;
	s29 =	smov.u32 s28;
	s28 =	smov.u32 s30;
	s30 =	smov.u32 s4  }
0x70: {  	_ = 	snop  }
0x71: {  	(erf) = vpow2.f32 v34  }
0x72: {  	_ = 	snop  }
0x73: {  	v31 =	vsub.f32 v33, v31;
	_ =	sdelay $0x1  }
0x74: {  	v31 =	vmul.f32 $1.442695020e+00, v31;
	_ =	sdelay $0x1  }
0x75: {  	(erf) = vpow2.f32 v31;
	_ =	sdelay $0x4  }
0x76: {  	v31 =	vpop (erf)  }
0x77: {  	v32 =	vadd.f32 v31, v32  }
0x78: {  	v57 =	vpop (erf)  }
0x79: {  	v32 =	vadd.f32 v57, v32  }
0x7a: {  	[tilespmem:s29+$0x400] =	vst v31;
	v31 =	vpop (erf)  }
0x7b: {  	[tilespmem:s28+$0x400] =	vst v57;
	v32 =	vadd.f32 v31, v32  }
0x7c: {  	[tilespmem:s30+$0x400] =	vst v31  }
0x7d: {  	[tilespmem:$0x600] =	vst v32  }
0x7e: {  	v31 =	vld.idx.msk [tilespmem:v2+s20+$0x0], $0xffff;
	_ =	sdelay $0x4  }
0x7f: {  	v31 =	vadd.f32 v31, v32;
	_ =	sdelay $0x1  }
0x80: {  	[tilespmem:$0x600] =	vst v31  }
0x81: {  	v58 =	vld.idx.msk [tilespmem:v4+s20+$0x0], $0xffff;
	_ =	sdelay $0x4  }
0x82: {  	v31 =	vadd.f32 v58, v31;
	_ =	sdelay $0x1  }
0x83: {  	[tilespmem:$0x600] =	vst v31  }
0x84: {  	v59 =	vld.idx.msk [tilespmem:v5+s20+$0x0], $0xffff;
	_ =	sdelay $0x4  }
0x85: {  	v31 =	vadd.f32 v59, v31;
	_ =	sdelay $0x1  }
0x86: {  	[tilespmem:$0x600] =	vst v31  }
0x87: {  	v60 =	vld.idx.msk [tilespmem:v6+s20+$0x0], $0xffff;
	_ =	sdelay $0x4  }
0x88: {  	v31 =	vadd.f32 v60, v31;
	_ =	sdelay $0x1  }
0x89: {  	[tilespmem:$0x600] =	vst v31  }
0x8a: {  	[spmem:s12] =	stream.linear.scatter [tilespmem:s20], [sflag:$0x1], $0x10, $0x38;
	[tilespmem:$0xB40] =	vst v63  }
0x8b: {  	_ =	swait.ge [sflag:s19], $0x10  }
0x8c: {  	[sflag:s19] =	ssyncset.done $0x0  }
0x8d: {  	[sflag:s19] =	ssyncadd.s32 $0xFFFFFFF0  }
0x8e: {  	[bflag:$0x0] =	sbarrier.arrive $0xFFFF  }
0x8f: {  	[tilespmem:s21], [sflag:$0x1] =	stream.linear.gather [spmem:s13], $0x100, $0x38;
	[tilespmem:$0xB40] =	vst v63  }
0x90: {  	_ =	swait.ge [sflag:s19], $0x100  }
0x91: {  	[sflag:s19] =	ssyncset.done $0x0  }
0x92: {  	[sflag:s19] =	ssyncadd.s32 $0xFFFFFF00  }
0x93: {  	v31 =	vld.idx.msk [tilespmem:v3+s21+$0x0], $0xffff;
	_ =	sdelay $0x4  }
0x94: {  	[tilespmem:$0x600] =	vst v31  }
0x95: {  	v61 =	vld.idx.msk [tilespmem:v2+s20+$0x0], $0xffff;
	_ =	sdelay $0x4  }
0x96: {  	v31 =	vadd.f32 v61, v31;
	_ =	sdelay $0x1  }
0x97: {  	[tilespmem:$0x600] =	vst v31  }
0x98: {  	v62 =	vld.idx.msk [tilespmem:v4+s20+$0x0], $0xffff;
	_ =	sdelay $0x4  }
0x99: {  	v31 =	vadd.f32 v62, v31;
	_ =	sdelay $0x1  }
0x9a: {  	[tilespmem:$0x600] =	vst v31  }
0x9b: {  	v63 =	vld.idx.msk [tilespmem:v5+s20+$0x0], $0xffff;
	_ =	sdelay $0x4  }
0x9c: {  	v33 =	vadd.f32 v63, v31;
	_ =	sdelay $0x1  }
0x9d: {  	[tilespmem:$0x600] =	vst v33  }
0x9e: {  	v35 =	vimm.s32 $0x0;
	s28 =	simm.s32 $0x0;
	v32 =	vimm.s32 $0x0;
	v31 =	vmov v30;
	v34 =	vld.idx.msk [tilespmem:v6+s20+$0x0], $0xffff  }
.LBB2_7:
0x9f: {  	[tilespmem:$0x900] =	vst v7  }
0xa0: {  	[tilespmem:$0x910] =	vst v7  }
0xa1: {  	[tilespmem:$0x920] =	vst v7  }
0xa2: {  	[tilespmem:$0x930] =	vst v7  }
0xa3: {  	[tilespmem:$0x940] =	vst v7  }
0xa4: {  	[tilespmem:$0x950] =	vst v7  }
0xa5: {  	[tilespmem:$0x960] =	vst v7  }
0xa6: {  	[tilespmem:$0x970] =	vst v7  }
0xa7: {  	[tilespmem:$0x980] =	vst v7  }
0xa8: {  	[tilespmem:$0x990] =	vst v7  }
0xa9: {  	[tilespmem:$0x9A0] =	vst v7  }
0xaa: {  	[tilespmem:$0x9B0] =	vst v7  }
0xab: {  	[tilespmem:$0x9C0] =	vst v7  }
0xac: {  	[tilespmem:$0x9D0] =	vst v7;
	s4 =	sshll.u32 s28, $0x2  }
0xad: {  	[tilespmem:$0x9E0] =	vst v7;
	s4 =	ssub.s32 $0x1C, s4  }
0xae: {  	[tilespmem:$0x9F0] =	vst v7;
	s30 =	simm.s32 $0x0;
	s29 =	simm.s32 $0x40;
	v36 =	vmov s4  }
.LBB2_8:
0xaf: {  	p1 =	sne.s32 s29, $0x7C0;
	v37 =	vld [tilespmem:s30+$0x200];
	_ =	sdelay $0x4  }
0xb0: {  	v38 =	vshrl.u32 v37, v36  }
0xb1: {  	v37 =	vand.u32 v35, v37;
	v38 =	vshll.u32 v38, $0x4  }
0xb2: {  	vm3 =	veq.s32 v37, v32;
	v37 =	vor.u32 v0, v38  }
0xb3: {  	v37 =	vand.u32 $0xFF, v37  }
.Ltmp2:
0xb4: {  	(pc) =	sbr.rel @p1 .LBB2_8-.Ltmp2, $2  }
0xb5: {  	_ =	sdelay $0x2  }
0xb6: {  	s30 =	sshra.s32 s29, $0x2;
	s29 =	sadd.s32 $0x40, s29;
	[tilespmem:v37+s22+$0x0] =	vst.idx.add.s32.msk vm3, v8  }
0xb7: {  	v37 =	vld [tilespmem:s30+$0x200];
	_ =	sdelay $0x4  }
0xb8: {  	v38 =	vshrl.u32 v37, v36  }
0xb9: {  	v37 =	vand.u32 v35, v37;
	v38 =	vshll.u32 v38, $0x4  }
0xba: {  	vm3 =	veq.s32 v37, v32;
	v48 =	vor.u32 v0, v38  }
0xbb: {  	v37 =	vand.u32 $0xFF, v48;
	_ =	sdelay $0x4  }
0xbc: {  	[tilespmem:v37+s22+$0x0] =	vst.idx.add.s32.msk vm3, v8  }
0xbd: {  	v37 =	vld.idx.msk [tilespmem:v3+s22+$0x0], $0xffff  }
0xbe: {  	v49 =	vld.idx.msk [tilespmem:v9+s22+$0x0], $0xffff  }
0xbf: {  	v39 =	vld.idx.msk [tilespmem:v10+s22+$0x0], $0xffff  }
0xc0: {  	v40 =	vld.idx.msk [tilespmem:v11+s22+$0x0], $0xffff  }
0xc1: {  	v41 =	vld.idx.msk [tilespmem:v12+s22+$0x0], $0xffff  }
0xc2: {  	v42 =	vld.idx.msk [tilespmem:v13+s22+$0x0], $0xffff  }
0xc3: {  	v50 =	vld.idx.msk [tilespmem:v14+s22+$0x0], $0xffff;
	v37 =	vadd.s32 v37, v49  }
0xc4: {  	v51 =	vld.idx.msk [tilespmem:v15+s22+$0x0], $0xffff;
	v37 =	vadd.s32 v39, v37  }
0xc5: {  	v52 =	vld.idx.msk [tilespmem:v16+s22+$0x0], $0xffff;
	v37 =	vadd.s32 v40, v37  }
0xc6: {  	v53 =	vld.idx.msk [tilespmem:v17+s22+$0x0], $0xffff;
	v37 =	vadd.s32 v41, v37  }
0xc7: {  	v54 =	vld.idx.msk [tilespmem:v18+s22+$0x0], $0xffff;
	v37 =	vadd.s32 v42, v37  }
0xc8: {  	v55 =	vld.idx.msk [tilespmem:v19+s22+$0x0], $0xffff;
	v37 =	vadd.s32 v50, v37  }
0xc9: {  	v56 =	vld.idx.msk [tilespmem:v20+s22+$0x0], $0xffff;
	v37 =	vadd.s32 v51, v37  }
0xca: {  	v57 =	vld.idx.msk [tilespmem:v21+s22+$0x0], $0xffff;
	v37 =	vadd.s32 v52, v37  }
0xcb: {  	v58 =	vld.idx.msk [tilespmem:v23+s22+$0x0], $0xffff;
	v37 =	vadd.s32 v53, v37  }
0xcc: {  	v59 =	vld.idx.msk [tilespmem:v26+s22+$0x0], $0xffff;
	v37 =	vadd.s32 v54, v37  }
0xcd: {  	v37 =	vadd.s32 v55, v37  }
0xce: {  	v37 =	vadd.s32 v56, v37  }
0xcf: {  	s4 =	sshll.u32 s28, $0x8;
	v37 =	vadd.s32 v57, v37  }
0xd0: {  	s4 =	sand.u32 $0x100, s4;
	v37 =	vadd.s32 v58, v37  }
0xd1: {  	s4 =	sadd.s32 s4, s5;
	v37 =	vadd.s32 v59, v37  }
0xd2: {  	s29 =	sadd.s32 s9, s4;
	[tilespmem:$0x680] =	vst v37  }
0xd3: {  	[spmem:s29] =	stream.linear.scatter [tilespmem:s23], [sflag:$0x1], $0x10, $0x38;
	[tilespmem:$0xB40] =	vst v63  }
0xd4: {  	_ =	swait.ge [sflag:s19], $0x10  }
0xd5: {  	[sflag:s19] =	ssyncset.done $0x0  }
0xd6: {  	[sflag:s19] =	ssyncadd.s32 $0xFFFFFFF0  }
0xd7: {  	[bflag:$0x0] =	sbarrier.arrive $0xFFFF  }
0xd8: {  	[tilespmem:s24], [sflag:$0x1] =	stream.linear.gather [spmem:s4], $0x100, $0x38;
	[tilespmem:$0xB40] =	vst v63  }
0xd9: {  	_ =	swait.ge [sflag:s19], $0x100  }
0xda: {  	[sflag:s19] =	ssyncset.done $0x0  }
0xdb: {  	[sflag:s19] =	ssyncadd.s32 $0xFFFFFF00  }
0xdc: {  	v60 =	vld [tilespmem:$0x800]  }
0xdd: {  	v61 =	vld [tilespmem:$0x810]  }
0xde: {  	v62 =	vld [tilespmem:$0x820]  }
0xdf: {  	v63 =	vld [tilespmem:$0x830]  }
0xe0: {  	v45 =	vld [tilespmem:$0x840]  }
0xe1: {  	v46 =	vld [tilespmem:$0x850]  }
0xe2: {  	v47 =	vld [tilespmem:$0x860];
	v37 =	vadd.s32 v60, v61  }
0xe3: {  	v48 =	vld [tilespmem:$0x870];
	v37 =	vadd.s32 v62, v37  }
0xe4: {  	v49 =	vld [tilespmem:$0x880];
	v37 =	vadd.s32 v63, v37  }
0xe5: {  	v50 =	vld [tilespmem:$0x890];
	v37 =	vadd.s32 v45, v37  }
0xe6: {  	v51 =	vld [tilespmem:$0x8A0];
	v37 =	vadd.s32 v46, v37  }
0xe7: {  	v52 =	vld [tilespmem:$0x8B0];
	v37 =	vadd.s32 v47, v37  }
0xe8: {  	v53 =	vld [tilespmem:$0x8C0];
	v37 =	vadd.s32 v48, v37  }
0xe9: {  	v54 =	vld [tilespmem:$0x8D0];
	v37 =	vadd.s32 v49, v37  }
0xea: {  	v55 =	vld [tilespmem:$0x8E0];
	v37 =	vadd.s32 v50, v37  }
0xeb: {  	v56 =	vld [tilespmem:$0x8F0];
	v37 =	vadd.s32 v51, v37  }
0xec: {  	v37 =	vadd.s32 v52, v37  }
0xed: {  	v37 =	vadd.s32 v53, v37  }
0xee: {  	v37 =	vadd.s32 v54, v37  }
0xef: {  	v37 =	vadd.s32 v55, v37  }
0xf0: {  	v37 =	vadd.s32 v56, v37  }
0xf1: {  	[tilespmem:$0x680] =	vst v37  }
0xf2: {  	v57 =	vld.idx.msk [tilespmem:v22+s23+$0x0], $0xffff;
	_ =	sdelay $0x3  }
0xf3: {  	vm3 =	veq.s32 v0, $0x0  }
0xf4: {  	v38 =	vsel vm3, $0x0, v57  }
0xf5: {  	v38 =	vadd.s32 v37, v38  }
0xf6: {  	[tilespmem:$0x680] =	vst v38  }
0xf7: {  	v58 =	vld.idx.msk [tilespmem:v24+s23+$0x0], $0xffff;
	_ =	sdelay $0x4  }
0xf8: {  	v39 =	vsel vm0, $0x0, v58  }
0xf9: {  	v38 =	vadd.s32 v38, v39  }
0xfa: {  	[tilespmem:$0x680] =	vst v38  }
0xfb: {  	v59 =	vld.idx.msk [tilespmem:v25+s23+$0x0], $0xffff;
	_ =	sdelay $0x4  }
0xfc: {  	v39 =	vsel vm1, $0x0, v59  }
0xfd: {  	v38 =	vadd.s32 v38, v39  }
0xfe: {  	[tilespmem:$0x680] =	vst v38  }
0xff: {  	v60 =	vld.idx.msk [tilespmem:v27+s23+$0x0], $0xffff;
	_ =	sdelay $0x4  }
0x100: {  	v39 =	vsel vm2, $0x0, v60  }
0x101: {  	v38 =	vadd.s32 v38, v39  }
0x102: {  	vm3 =	vlt.s32 v38, v31  }
0x103: {  	v61 =	vmpcnt.ones.xlane vm3;
	_ =	sdelay $0x3  }
0x104: {  	v37 =	vsub.s32 v38, v37  }
0x105: {  	s28 =	sadd.s32 $0x1, s28;
	[tilespmem:$0x680] =	vst v37  }
0x106: {  	p1 =	seq.s32 s28, $0x7;
	v37 =	vld.idx.msk [tilespmem:v61+s23+$0x0], $0xffff  }
.Ltmp3:
0x107: {  	_ = 	snop;
	(pc) =	sbr.rel @!p1 .LBB2_7-.Ltmp3, $3  }
0x108: {  	_ =	sdelay $0x1  }
0x109: {  	v63 =	vshll.u32 v28, v36;
	v62 =	vshll.u32 v61, v36  }
0x10a: {  	v35 =	vor.u32 v35, v63;
	v32 =	vor.u32 v32, v62;
	v31 =	vsub.s32 v31, v37  }
0x10b: {  	[tilespmem:$0x900] =	vst v7  }
0x10c: {  	[tilespmem:$0x910] =	vst v7  }
0x10d: {  	[tilespmem:$0x920] =	vst v7  }
0x10e: {  	[tilespmem:$0x930] =	vst v7  }
0x10f: {  	[tilespmem:$0x940] =	vst v7  }
0x110: {  	[tilespmem:$0x950] =	vst v7  }
0x111: {  	[tilespmem:$0x960] =	vst v7  }
0x112: {  	[tilespmem:$0x970] =	vst v7  }
0x113: {  	[tilespmem:$0x980] =	vst v7  }
0x114: {  	[tilespmem:$0x990] =	vst v7  }
0x115: {  	[tilespmem:$0x9A0] =	vst v7  }
0x116: {  	[tilespmem:$0x9B0] =	vst v7  }
0x117: {  	[tilespmem:$0x9C0] =	vst v7  }
0x118: {  	[tilespmem:$0x9D0] =	vst v7  }
0x119: {  	[tilespmem:$0x9E0] =	vst v7  }
0x11a: {  	[tilespmem:$0x9F0] =	vst v7;
	s29 =	simm.s32 $0x0;
	s28 =	simm.s32 $0x40  }
.LBB2_11:
0x11b: {  	p1 =	sne.s32 s28, $0x7C0;
	v36 =	vld [tilespmem:s29+$0x200];
	_ =	sdelay $0x4  }
0x11c: {  	v37 =	vand.u32 v35, v36;
	v36 =	vshll.u32 v36, $0x4  }
0x11d: {  	vm3 =	veq.s32 v37, v32;
	v36 =	vor.u32 v0, v36  }
0x11e: {  	v36 =	vand.u32 $0xFF, v36  }
.Ltmp4:
0x11f: {  	(pc) =	sbr.rel @p1 .LBB2_11-.Ltmp4, $2  }
0x120: {  	_ =	sdelay $0x2  }
0x121: {  	s29 =	sshra.s32 s28, $0x2;
	s28 =	sadd.s32 $0x40, s28;
	[tilespmem:v36+s22+$0x0] =	vst.idx.add.s32.msk vm3, v8  }
0x122: {  	v36 =	vld [tilespmem:s29+$0x200];
	_ =	sdelay $0x4  }
0x123: {  	v35 =	vand.u32 v35, v36;
	v36 =	vshll.u32 v36, $0x4  }
0x124: {  	vm3 =	veq.s32 v35, v32;
	v57 =	vor.u32 v0, v36  }
0x125: {  	v35 =	vand.u32 $0xFF, v57;
	_ =	sdelay $0x4  }
0x126: {  	[tilespmem:v35+s22+$0x0] =	vst.idx.add.s32.msk vm3, v8  }
0x127: {  	v35 =	vld.idx.msk [tilespmem:v3+s22+$0x0], $0xffff  }
0x128: {  	v58 =	vld.idx.msk [tilespmem:v9+s22+$0x0], $0xffff  }
0x129: {  	v37 =	vld.idx.msk [tilespmem:v10+s22+$0x0], $0xffff  }
0x12a: {  	v38 =	vld.idx.msk [tilespmem:v11+s22+$0x0], $0xffff  }
0x12b: {  	v39 =	vld.idx.msk [tilespmem:v12+s22+$0x0], $0xffff  }
0x12c: {  	v40 =	vld.idx.msk [tilespmem:v13+s22+$0x0], $0xffff  }
0x12d: {  	v59 =	vld.idx.msk [tilespmem:v14+s22+$0x0], $0xffff;
	v35 =	vadd.s32 v35, v58  }
0x12e: {  	v60 =	vld.idx.msk [tilespmem:v15+s22+$0x0], $0xffff;
	v35 =	vadd.s32 v37, v35  }
0x12f: {  	v61 =	vld.idx.msk [tilespmem:v16+s22+$0x0], $0xffff;
	v35 =	vadd.s32 v38, v35  }
0x130: {  	v62 =	vld.idx.msk [tilespmem:v17+s22+$0x0], $0xffff;
	v35 =	vadd.s32 v39, v35  }
0x131: {  	v63 =	vld.idx.msk [tilespmem:v18+s22+$0x0], $0xffff;
	v35 =	vadd.s32 v40, v35  }
0x132: {  	v43 =	vld.idx.msk [tilespmem:v19+s22+$0x0], $0xffff;
	v42 =	vadd.s32 v59, v35  }
0x133: {  	v33 =	vadd.f32 v34, v33;
	v44 =	vld.idx.msk [tilespmem:v20+s22+$0x0], $0xffff;
	v34 =	vadd.s32 v60, v42  }
0x134: {  	v46 =	vld.idx.msk [tilespmem:v21+s22+$0x0], $0xffff;
	v45 =	vadd.s32 v61, v34  }
0x135: {  	(erf) = vrcp.f32 v33;
	v47 =	vld.idx.msk [tilespmem:v23+s22+$0x0], $0xffff;
	v33 =	vadd.s32 v62, v45  }
0x136: {  	v48 =	vld.idx.msk [tilespmem:v26+s22+$0x0], $0xffff;
	v33 =	vadd.s32 v63, v33  }
0x137: {  	v33 =	vadd.s32 v43, v33  }
0x138: {  	v33 =	vadd.s32 v44, v33  }
0x139: {  	v33 =	vadd.s32 v46, v33  }
0x13a: {  	v33 =	vadd.s32 v47, v33  }
0x13b: {  	v33 =	vadd.s32 v48, v33;
	_ =	sdelay $0x1  }
0x13c: {  	[tilespmem:$0x680] =	vst v33  }
0x13d: {  	[spmem:s14] =	stream.linear.scatter [tilespmem:s23], [sflag:$0x1], $0x10, $0x38;
	v33 =	vpop (erf);
	[tilespmem:$0xB40] =	vst v63  }
0x13e: {  	_ =	swait.ge [sflag:s19], $0x10  }
0x13f: {  	[sflag:s19] =	ssyncset.done $0x0  }
0x140: {  	[sflag:s19] =	ssyncadd.s32 $0xFFFFFFF0  }
0x141: {  	[bflag:$0x0] =	sbarrier.arrive $0xFFFF  }
0x142: {  	[tilespmem:s24], [sflag:$0x1] =	stream.linear.gather [spmem:s15], $0x100, $0x38;
	[tilespmem:$0xB40] =	vst v63  }
0x143: {  	_ =	swait.ge [sflag:s19], $0x100  }
0x144: {  	[sflag:s19] =	ssyncset.done $0x0  }
0x145: {  	[sflag:s19] =	ssyncadd.s32 $0xFFFFFF00  }
0x146: {  	v49 =	vld [tilespmem:$0x800]  }
0x147: {  	v50 =	vld [tilespmem:$0x810]  }
0x148: {  	v51 =	vld [tilespmem:$0x820]  }
0x149: {  	v52 =	vld [tilespmem:$0x830]  }
0x14a: {  	v53 =	vld [tilespmem:$0x840]  }
0x14b: {  	v54 =	vld [tilespmem:$0x850]  }
0x14c: {  	v55 =	vld [tilespmem:$0x860];
	v34 =	vadd.s32 v49, v50  }
0x14d: {  	v56 =	vld [tilespmem:$0x870];
	v34 =	vadd.s32 v51, v34  }
0x14e: {  	v57 =	vld [tilespmem:$0x880];
	v34 =	vadd.s32 v52, v34  }
0x14f: {  	v58 =	vld [tilespmem:$0x890];
	v34 =	vadd.s32 v53, v34  }
0x150: {  	v59 =	vld [tilespmem:$0x8A0];
	v34 =	vadd.s32 v54, v34  }
0x151: {  	v60 =	vld [tilespmem:$0x8B0];
	v34 =	vadd.s32 v55, v34  }
0x152: {  	v61 =	vld [tilespmem:$0x8C0];
	v34 =	vadd.s32 v56, v34  }
0x153: {  	v62 =	vld [tilespmem:$0x8D0];
	v34 =	vadd.s32 v57, v34  }
0x154: {  	v63 =	vld [tilespmem:$0x8E0];
	v34 =	vadd.s32 v58, v34  }
0x155: {  	v42 =	vld [tilespmem:$0x8F0];
	v34 =	vadd.s32 v59, v34  }
0x156: {  	v34 =	vadd.s32 v60, v34  }
0x157: {  	v34 =	vadd.s32 v61, v34  }
0x158: {  	v34 =	vadd.s32 v62, v34  }
0x159: {  	v34 =	vadd.s32 v63, v34  }
0x15a: {  	v34 =	vadd.s32 v42, v34  }
0x15b: {  	[tilespmem:$0x680] =	vst v34  }
0x15c: {  	v43 =	vld.idx.msk [tilespmem:v22+s23+$0x0], $0xffff;
	_ =	sdelay $0x3  }
0x15d: {  	vm3 =	veq.s32 v0, $0x0  }
0x15e: {  	v35 =	vsel vm3, $0x0, v43  }
0x15f: {  	v35 =	vadd.s32 v34, v35  }
0x160: {  	[tilespmem:$0x680] =	vst v35  }
0x161: {  	v44 =	vld.idx.msk [tilespmem:v24+s23+$0x0], $0xffff;
	_ =	sdelay $0x4  }
0x162: {  	v36 =	vsel vm0, $0x0, v44  }
0x163: {  	v35 =	vadd.s32 v35, v36  }
0x164: {  	[tilespmem:$0x680] =	vst v35  }
0x165: {  	v45 =	vld.idx.msk [tilespmem:v25+s23+$0x0], $0xffff;
	_ =	sdelay $0x4  }
0x166: {  	v36 =	vsel vm1, $0x0, v45  }
0x167: {  	v35 =	vadd.s32 v35, v36  }
0x168: {  	[tilespmem:$0x680] =	vst v35  }
0x169: {  	v46 =	vld.idx.msk [tilespmem:v27+s23+$0x0], $0xffff;
	_ =	sdelay $0x4  }
0x16a: {  	v36 =	vsel vm2, $0x0, v46  }
0x16b: {  	v35 =	vadd.s32 v35, v36  }
0x16c: {  	vm4 =	vlt.s32 v35, v31  }
0x16d: {  	v47 =	vmpcnt.ones.xlane vm4;
	_ =	sdelay $0x1  }
0x16e: {  	v48 =	vadd.s32 v3, v47;
	_ =	sdelay $0x2  }
0x16f: {  	v34 =	vsub.s32 v35, v34  }
0x170: {  	[tilespmem:$0x680] =	vst v34  }
0x171: {  	v34 =	vld.idx.msk [tilespmem:v48+s24+$0x0], $0xffff;
	_ =	sdelay $0x4  }
0x172: {  	v49 =	vld.idx.msk [tilespmem:v47+s23+$0x0], $0xffff;
	[tilespmem:$0x680] =	vst v34  }
0x173: {  	v50 =	vld.idx.msk [tilespmem:v22+s23+$0x0], $0xffff;
	_ =	sdelay $0x4  }
0x174: {  	v37 =	vsel vm3, $0x0, v50  }
0x175: {  	v37 =	vadd.s32 v34, v37  }
0x176: {  	[tilespmem:$0x680] =	vst v37  }
0x177: {  	v51 =	vld.idx.msk [tilespmem:v24+s23+$0x0], $0xffff;
	_ =	sdelay $0x4  }
0x178: {  	v38 =	vsel vm0, $0x0, v51  }
0x179: {  	v37 =	vadd.s32 v37, v38  }
0x17a: {  	[tilespmem:$0x680] =	vst v37  }
0x17b: {  	v52 =	vld.idx.msk [tilespmem:v25+s23+$0x0], $0xffff;
	_ =	sdelay $0x4  }
0x17c: {  	v38 =	vsel vm1, $0x0, v52  }
0x17d: {  	v37 =	vadd.s32 v37, v38  }
0x17e: {  	[tilespmem:$0x680] =	vst v37  }
0x17f: {  	v53 =	vld.idx.msk [tilespmem:v27+s23+$0x0], $0xffff;
	_ =	sdelay $0x4  }
0x180: {  	v34 =	vsub.s32 v37, v34;
	v38 =	vsel vm2, $0x0, v53  }
0x181: {  	v34 =	vadd.s32 v38, v34  }
0x182: {  	s28 =	simm.s32 $0x0;
	[tilespmem:$0x680] =	vst v34  }
0x183: {  	v54 =	vld [tilespmem:s28+$0x200];
	_ =	sdelay $0x3  }
0x184: {  	v32 =	vor.u32 v32, v47  }
0x185: {  	vm4 =	veq.s32 v54, v32  }
0x186: {  	v56 =	vsel vm4, $0x1, v7  }
0x187: {  	v55 =	vld.idx.msk [tilespmem:v1+s23+$0x0], $0xffff;
	[tilespmem:$0x680] =	vst v56  }
0x188: {  	v57 =	vld.idx.msk [tilespmem:v22+s23+$0x0], $0xffff;
	_ =	sdelay $0x4  }
0x189: {  	v38 =	vsel vm3, $0x0, v57  }
0x18a: {  	v34 =	vadd.s32 v56, v38  }
0x18b: {  	[tilespmem:$0x680] =	vst v34  }
0x18c: {  	v58 =	vld.idx.msk [tilespmem:v24+s23+$0x0], $0xffff;
	_ =	sdelay $0x4  }
0x18d: {  	v38 =	vsel vm0, $0x0, v58  }
0x18e: {  	v34 =	vadd.s32 v34, v38  }
0x18f: {  	[tilespmem:$0x680] =	vst v34  }
0x190: {  	v59 =	vld.idx.msk [tilespmem:v25+s23+$0x0], $0xffff;
	_ =	sdelay $0x4  }
0x191: {  	v38 =	vsel vm1, $0x0, v59  }
0x192: {  	v38 =	vadd.s32 v34, v38  }
0x193: {  	[tilespmem:$0x680] =	vst v38  }
0x194: {  	v60 =	vld.idx.msk [tilespmem:v27+s23+$0x0], $0xffff;
	_ =	sdelay $0x2  }
0x195: {  	v61 =	vld [tilespmem:s28+$0x400]  }
0x196: {  	s30 =	simm.s32 $0x10;
	v34 =	vimm.s32 $0x0  }
0x197: {  	v35 =	vadd.s32 v55, v49;
	v38 =	vadd.s32 v34, v38;
	v62 =	vld [tilespmem:s30+$0x200];
	v39 =	vsel vm2, $0x0, v60  }
0x198: {  	v31 =	vsub.s32 v31, v35;
	v38 =	vadd.s32 v39, v38  }
0x199: {  	v37 =	vxor.u32 v29, v54;
	v35 =	vxor.u32 v29, v32;
	vm5 =	vle.s32 v38, v31  }
0x19a: {  	vm6 =	vlt.s32 v37, v35;
	v63 =	vmul.f32 v61, v33;
	vm5 =	vmand vm4, vm5  }
0x19b: {  	v37 =	vmpcnt.ones.xlane vm4;
	vm5 =	vmor vm6, vm5  }
0x19c: {  	s29 =	simm.s32 $0x80;
	v36 =	vxor.u32 v29, v62;
	vm4 =	veq.s32 v62, v32;
	v38 =	vsel vm5, $0x0, v63  }
.LBB2_13:
0x19d: {  	p1 =	sne.s32 s29, $0x7C0;
	v39 =	vsel vm4, $0x1, v7;
	[tilespmem:s28+$0x400] =	vst v38;
	v34 =	vadd.s32 v34, v37;
	s4 =	smov.u32 s29;
	s29 =	sadd.s32 $0x40, s29  }
0x19e: {  	s28 =	smov.u32 s30;
	[tilespmem:$0x680] =	vst v39  }
0x19f: {  	v37 =	vld.idx.msk [tilespmem:v22+s23+$0x0], $0xffff;
	_ =	sdelay $0x5  }
0x1a0: {  	v37 =	vsel vm3, $0x0, v37  }
0x1a1: {  	v37 =	vadd.s32 v39, v37  }
0x1a2: {  	[tilespmem:$0x680] =	vst v37  }
0x1a3: {  	v38 =	vld.idx.msk [tilespmem:v24+s23+$0x0], $0xffff;
	_ =	sdelay $0x5  }
0x1a4: {  	v38 =	vsel vm0, $0x0, v38  }
0x1a5: {  	v37 =	vadd.s32 v37, v38  }
0x1a6: {  	[tilespmem:$0x680] =	vst v37  }
0x1a7: {  	v38 =	vld.idx.msk [tilespmem:v25+s23+$0x0], $0xffff;
	_ =	sdelay $0x5  }
0x1a8: {  	v38 =	vsel vm1, $0x0, v38  }
0x1a9: {  	v37 =	vadd.s32 v37, v38  }
0x1aa: {  	[tilespmem:$0x680] =	vst v37  }
0x1ab: {  	v38 =	vld.idx.msk [tilespmem:v27+s23+$0x0], $0xffff  }
0x1ac: {  	v39 =	vld [tilespmem:s28+$0x400];
	_ =	sdelay $0x3  }
0x1ad: {  	s30 =	sshra.s32 s4, $0x2  }
0x1ae: {  	v37 =	vadd.s32 v34, v37;
	v38 =	vsel vm2, $0x0, v38;
	v40 =	vld [tilespmem:s30+$0x200]  }
.Ltmp5:
0x1af: {  	v37 =	vadd.s32 v38, v37;
	(pc) =	sbr.rel @p1 .LBB2_13-.Ltmp5, $4  }
0x1b0: {  	vm5 =	vle.s32 v37, v31  }
0x1b1: {  	vm6 =	vlt.s32 v36, v35;
	v38 =	vmul.f32 v39, v33;
	vm5 =	vmand vm4, vm5  }
0x1b2: {  	v37 =	vmpcnt.ones.xlane vm4;
	vm5 =	vmor vm6, vm5  }
0x1b3: {  	v38 =	vsel vm5, $0x0, v38;
	vm4 =	veq.s32 v40, v32;
	v36 =	vxor.u32 v29, v40  }
0x1b4: {  	_ =	sdelay $0x1  }
0x1b5: {  	v32 =	vsel vm4, $0x1, v7;
	[tilespmem:s28+$0x400] =	vst v38  }
0x1b6: {  	[tilespmem:$0x680] =	vst v32  }
0x1b7: {  	v38 =	vld.idx.msk [tilespmem:v22+s23+$0x0], $0xffff;
	_ =	sdelay $0x4  }
0x1b8: {  	v38 =	vsel vm3, $0x0, v38  }
0x1b9: {  	v32 =	vadd.s32 v32, v38  }
0x1ba: {  	[tilespmem:$0x680] =	vst v32  }
0x1bb: {  	v60 =	vld.idx.msk [tilespmem:v24+s23+$0x0], $0xffff;
	_ =	sdelay $0x4  }
0x1bc: {  	v38 =	vsel vm0, $0x0, v60  }
0x1bd: {  	v32 =	vadd.s32 v32, v38  }
0x1be: {  	[tilespmem:$0x680] =	vst v32  }
0x1bf: {  	v61 =	vld.idx.msk [tilespmem:v25+s23+$0x0], $0xffff;
	_ =	sdelay $0x4  }
0x1c0: {  	v38 =	vsel vm1, $0x0, v61  }
0x1c1: {  	v32 =	vadd.s32 v32, v38  }
0x1c2: {  	[tilespmem:$0x680] =	vst v32  }
0x1c3: {  	v62 =	vld.idx.msk [tilespmem:v27+s23+$0x0], $0xffff;
	_ =	sdelay $0x2  }
0x1c4: {  	v39 =	vld [tilespmem:s30+$0x400]  }
0x1c5: {  	v34 =	vadd.s32 v34, v37  }
0x1c6: {  	v32 =	vadd.s32 v34, v32;
	v63 =	vsel vm2, $0x0, v62  }
0x1c7: {  	v32 =	vadd.s32 v63, v32  }
0x1c8: {  	vm3 =	vle.s32 v32, v31  }
0x1c9: {  	vm15 =	vlt.s32 v36, v35;
	v31 =	vmul.f32 v39, v33;
	vm3 =	vmand vm4, vm3  }
0x1ca: {  	vm3 =	vmor vm15, vm3  }
0x1cb: {  	v31 =	vsel vm3, $0x0, v31  }
.Ltmp6:
0x1cc: {  	s4 =	sadd.s32 s8, s26;
	s26 =	simm.s32 $0x400;
	[tilespmem:s30+$0x400] =	vst v31;
	(pc) =	sbr.rel @p0 .LBB2_2-.Ltmp6, $4  }
0x1cd: {  	[hbm4b:s4+s6] =	stream.linear.scatter [tilespmem:s26], [sflag:$0x1], $0x200, $0x38;
	[tilespmem:$0xB40] =	vst v63  }
0x1ce: {  	_ =	swait.ge [sflag:s19], $0x200  }
0x1cf: {  	[sflag:s19] =	ssyncset.done $0x0  }
0x1d0: {  	p1 =	por $0x0, $0x0;
	[sflag:s19] =	ssyncadd.s32 $0xFFFFFE00  }
0x1d1: {  	s25 =	sadd.s32 $0x1, s25  }
0x1d2: {  	p0 =	sne.s32 s25, s16  }
.Ltmp7:
0x1d3: {  	_ = 	snop;
	(pc) =	sbr.rel @p0 .LBB2_1-.Ltmp7, $1  }
0x1d4: {  	_ =	sdelay $0x3  }
0x1d5: {  	_ =	sfence.sel $0x180000  }
0x1d6: {  	[bflag:$0x0] =	sbarrier.arrive $0xFFFF  }
0x1d7: {  	_ =	strace $0x90000047  }
0x1d8: {  	[bflag:$0x2] =	sbarrier.arrive $0xFFFF  }
0x1d9: {  	p0 =	sne.s32 s0, $0x0;
	s0 =	rddreg [dreg:$0x5]  }
0x1da: {  	s0 =	sadd.s32 @!p0 $0x100000, s0  }
0x1db: {  	[sflag:s0] =	ssyncadd.tile.s32 @!p0 $0x1;
	_ =	shalt  }
.Lfunc_end2:
_tile_overlayer_lowered:
.L_overlay_start_2:
0x1dc: {  	(tag) =	ssettag $0x2  }
0x1dd: {  	s0 =	rddreg [dreg:$0x0];
	s2 =	stileid.u32  }
0x1de: {  	s1 =	rddreg [dreg:$0x1];
	p0 =	sne.s32 s2, $0x0  }
0x1df: {  	s3 =	rddreg [dreg:$0x2];
	[bflag:$0x3] =	sbarrier.arrive $0xFFFF;
	s2 =	simm.s32 @!p0 $0x1C01  }
0x1e0: {  	[timem:s3], [sflag:s2] =	dma.local @!p0 [hbm:s0], s1  }
0x1e1: {  	s0 =	simm.s32 @!p0 $0x1  }
0x1e2: {  	_ =	swait.ge @!p0 [sflag:s0], s1  }
0x1e3: {  	s1 =	ssub.s32 @!p0 $0x0, s1;
	[sflag:s0] =	ssyncset.done @!p0 $0x0  }
0x1e4: {  	[sflag:s0] =	ssyncadd.s32 @!p0 s1  }
0x1e5: {  	[bflag:$0x3] =	sbarrier.arrive $0xFFFF  }
0x1e6: {  	_ =	shalt  }

</sc_bundles>
